<compile_context>
chip_gen: v7x
topology: tpu7x:2x2x1
jax: 0.10.2.dev20260603
libtpu: 0.0.44.dev20260713+nightly
codegen_flags: <defaults>
</compile_context>

<pallas_src>
import jax
import jax.numpy as jnp
from jax.experimental import pallas as pl
from jax.experimental.pallas import tpu as pltpu
from jax.experimental.pallas import tpu_sc as plsc

N = 2048
KRW = 8
DX = 128

_EDGES = 32768
_EPS = _EDGES // 16
_CHUNK = 512
_CELLS = _CHUNK * N
_SLICE = _CELLS // 16
_PAD = 2048


def _scatter_kernel_body(src_hbm, dst_hbm, w_hbm, z_hbm, a_hbm,
                         acc, sbuf, dbuf, wbuf, ibuf, vbuf):
    core = jax.lax.axis_index("c")
    tid = jax.lax.axis_index("s")
    e0 = tid * _EPS
    with jax.named_scope("edge_stage"):
        pltpu.sync_copy(src_hbm.at[pl.ds(e0, _EPS)], sbuf)
        pltpu.sync_copy(dst_hbm.at[pl.ds(e0, _EPS)], dbuf)
        pltpu.sync_copy(w_hbm.at[pl.ds(e0, _EPS)], wbuf)

    for c in range(2):
        base = core * 1024 + c * _CHUNK

        with jax.named_scope("zero_spmem"):
            pltpu.sync_copy(z_hbm.at[pl.ds(tid * _SLICE, _SLICE)],
                            acc.at[pl.ds(tid * _SLICE, _SLICE)])

            @pl.when(tid == 0)
            def _():
                pltpu.sync_copy(z_hbm.at[pl.ds(_CELLS, _PAD)],
                                acc.at[pl.ds(_CELLS, _PAD)])

            plsc.subcore_barrier()

        with jax.named_scope("edge_compute"):
            @pl.loop(0, _EPS, step=16)
            def _(o):
                s = sbuf[pl.ds(o, 16)]
                d = dbuf[pl.ds(o, 16)]
                vw = jnp.abs(wbuf[pl.ds(o, 16)])
                r = s - base
                ok = (r >= 0) & (r < _CHUNK)
                ibuf[pl.ds(o, 16)] = jnp.where(ok, r * N + d, _CELLS)
                vbuf[pl.ds(o, 16)] = vw

        with jax.named_scope("scatter_add"):
            @pl.loop(0, _EPS, step=512)
            def _(o):
                pltpu.sync_copy(vbuf.at[pl.ds(o, 512)],
                                acc.at[ibuf.at[pl.ds(o, 512)]], add=True)

            plsc.subcore_barrier()

        with jax.named_scope("flush"):
            pltpu.sync_copy(acc.at[pl.ds(tid * _SLICE, _SLICE)],
                            a_hbm.at[pl.ds(base * N + tid * _SLICE, _SLICE)])
            plsc.subcore_barrier()


def _sc_adjacency(src, dst, w):
    mesh = plsc.VectorSubcoreMesh(core_axis_name="c", subcore_axis_name="s")
    k = pl.kernel(
        _scatter_kernel_body,
        out_type=jax.ShapeDtypeStruct((N * N,), jnp.float32),
        mesh=mesh,
        scratch_types=[
            pltpu.VMEM_SHARED((_CELLS + _PAD,), jnp.float32),
            pltpu.VMEM((_EPS,), jnp.int32),
            pltpu.VMEM((_EPS,), jnp.int32),
            pltpu.VMEM((_EPS,), jnp.float32),
            pltpu.VMEM((_EPS,), jnp.int32),
            pltpu.VMEM((_EPS,), jnp.float32),
        ],
    )
    zeros = jnp.zeros((_CELLS + _PAD,), jnp.float32)
    return k(src, dst, w, zeros)


def _normalize_body(a_ref, p_ref):
    a = a_ref[...].reshape(N // 8, N)
    deg = jnp.sum(a, axis=1, keepdims=True)
    dinv = jnp.where(deg > 0, 1.0 / deg, 0.0)
    p_ref[...] = (a * dinv).astype(jnp.bfloat16)


def _normalize(A_flat):
    return pl.pallas_call(
        _normalize_body,
        grid=(8,),
        in_specs=[pl.BlockSpec((N // 8 * N,), lambda i: (i,))],
        out_specs=pl.BlockSpec((N // 8, N), lambda i: (i, 0)),
        out_shape=jax.ShapeDtypeStruct((N, N), jnp.bfloat16),
    )(A_flat)


def _matmul_body(a_ref, b_ref, o_ref):
    o_ref[...] = jnp.dot(a_ref[...], b_ref[...],
                         preferred_element_type=jnp.float32
                         ).astype(jnp.bfloat16)


def _matmul(A, B, bm=1024, bn=1024):
    return pl.pallas_call(
        _matmul_body,
        grid=(N // bm, N // bn),
        in_specs=[pl.BlockSpec((bm, N), lambda i, j: (i, 0)),
                  pl.BlockSpec((N, bn), lambda i, j: (0, j))],
        out_specs=pl.BlockSpec((bm, bn), lambda i, j: (i, j)),
        out_shape=jax.ShapeDtypeStruct((N, N), jnp.bfloat16),
    )(A, B)


_DBM = 256


def _diag_body(p_r, p2_r, p4_r, p_c, p2_c, p3_c, p4_c, d_ref):
    i = pl.program_id(0)

    r1 = p_r[...]
    r2 = p2_r[...]
    r4 = p4_r[...]
    c1 = p_c[...]
    c2 = p2_c[...]
    c3 = p3_c[...]
    c4 = p4_c[...]

    ii = jax.lax.broadcasted_iota(jnp.int32, (_DBM, _DBM), 0)
    jj = jax.lax.broadcasted_iota(jnp.int32, (_DBM, _DBM), 1)
    eye = ii == jj

    def dg(x, y):
        m = jnp.dot(x, y, preferred_element_type=jnp.float32)
        return jnp.sum(jnp.where(eye, m, 0.0), axis=1)

    own = p_r[:, pl.ds(i * _DBM, _DBM)]
    d_ref[0, :] = jnp.sum(jnp.where(eye, own.astype(jnp.float32), 0.0), axis=1)
    d_ref[1, :] = dg(r1, c1)
    d_ref[2, :] = dg(r2, c1)
    d_ref[3, :] = dg(r2, c2)
    d_ref[4, :] = dg(r4, c1)
    d_ref[5, :] = dg(r4, c2)
    d_ref[6, :] = dg(r4, c3)
    d_ref[7, :] = dg(r4, c4)


def _diags(P, P2, P3, P4):
    nb = N // _DBM
    rows = pl.BlockSpec((_DBM, N), lambda i: (i, 0))
    cols = pl.BlockSpec((N, _DBM), lambda i: (0, i))
    return pl.pallas_call(
        _diag_body,
        grid=(nb,),
        in_specs=[rows, rows, rows, cols, cols, cols, cols],
        out_specs=pl.BlockSpec((KRW, _DBM), lambda i: (0, i)),
        out_shape=jax.ShapeDtypeStruct((KRW, N), jnp.float32),
    )(P, P2, P4, P, P2, P3, P4)


def _ln_body(x_ref, d_ref, wt_ref, brw_ref, g_ref, b_ref, o_ref):
    po = jnp.dot(d_ref[...], wt_ref[...],
                 preferred_element_type=jnp.float32) + brw_ref[...]
    z = x_ref[0] + po
    mu = jnp.mean(z, axis=1, keepdims=True)
    var = jnp.mean((z - mu) ** 2, axis=1, keepdims=True)
    o_ref[0] = (z - mu) / jnp.sqrt(var + 1e-5) * g_ref[...] + b_ref[...]


def _ln(x, diags, W_rw, b_rw, ln_g, ln_b):
    b = x.shape[0]
    return pl.pallas_call(
        _ln_body,
        grid=(b,),
        in_specs=[
            pl.BlockSpec((1, N, DX), lambda i: (i, 0, 0)),
            pl.BlockSpec((N, KRW), lambda i: (0, 0)),
            pl.BlockSpec((KRW, DX), lambda i: (0, 0)),
            pl.BlockSpec((1, DX), lambda i: (0, 0)),
            pl.BlockSpec((1, DX), lambda i: (0, 0)),
            pl.BlockSpec((1, DX), lambda i: (0, 0)),
        ],
        out_specs=pl.BlockSpec((1, N, DX), lambda i: (i, 0, 0)),
        out_shape=jax.ShapeDtypeStruct(x.shape, jnp.float32),
    )(x, diags, W_rw.T, b_rw[None], ln_g[None], ln_b[None])


_CBM = 512


def _d2_block(xi, xj):
    g = jax.lax.dot_general(xi.astype(jnp.bfloat16), xj.astype(jnp.bfloat16),
                            (((1,), (1,)), ((), ())),
                            preferred_element_type=jnp.float32)
    sqi = jnp.sum(xi * xi, axis=1)
    sqj = jnp.sum(xj * xj, axis=1)
    return sqi[:, None] + sqj[None, :] - 2.0 * g


def _minmax_body(xi_ref, xj_ref, mn_ref, mx_ref, acc_ref):
    i = pl.program_id(1)
    j = pl.program_id(2)
    d2 = _d2_block(xi_ref[0], xj_ref[0])
    ii = jax.lax.broadcasted_iota(jnp.int32, (_CBM, _CBM), 0)
    jj = jax.lax.broadcasted_iota(jnp.int32, (_CBM, _CBM), 1)
    diag = (ii == jj) & (i == j)
    big = jnp.float32(3.0e38)
    dmin = jnp.min(jnp.where(diag, big, d2))
    dmax = jnp.max(jnp.where(diag, -big, d2))
    first = (i == 0) & (j == 0)

    @pl.when(first)
    def _():
        acc_ref[0] = dmin
        acc_ref[1] = dmax

    @pl.when(jnp.logical_not(first))
    def _():
        acc_ref[0] = jnp.minimum(acc_ref[0], dmin)
        acc_ref[1] = jnp.maximum(acc_ref[1], dmax)

    b = pl.program_id(0)
    mn_ref[b] = jnp.sqrt(jnp.clip(acc_ref[0], 1e-12, None))
    mx_ref[b] = jnp.sqrt(jnp.clip(acc_ref[1], 1e-12, None))


def _minmax(x_p):
    b = x_p.shape[0]
    nb = N // _CBM
    return pl.pallas_call(
        _minmax_body,
        grid=(b, nb, nb),
        in_specs=[
            pl.BlockSpec((1, _CBM, DX), lambda b_, i, j: (b_, i, 0)),
            pl.BlockSpec((1, _CBM, DX), lambda b_, i, j: (b_, j, 0)),
        ],
        out_specs=[
            pl.BlockSpec(memory_space=pltpu.SMEM),
            pl.BlockSpec(memory_space=pltpu.SMEM),
        ],
        out_shape=[jax.ShapeDtypeStruct((b,), jnp.float32),
                   jax.ShapeDtypeStruct((b,), jnp.float32)],
        scratch_shapes=[pltpu.SMEM((2,), jnp.float32)],
    )(x_p, x_p)


def _scale_body(xi_ref, xj_ref, mn_ref, mx_ref, o_ref):
    b = pl.program_id(0)
    i = pl.program_id(1)
    j = pl.program_id(2)
    d2 = _d2_block(xi_ref[0], xj_ref[0])
    ii = jax.lax.broadcasted_iota(jnp.int32, (_CBM, _CBM), 0)
    jj = jax.lax.broadcasted_iota(jnp.int32, (_CBM, _CBM), 1)
    diag = (ii == jj) & (i == j)
    d2 = jnp.where(diag, 0.0, d2)
    d = jnp.sqrt(jnp.clip(d2, 1e-12, None))
    mn = mn_ref[b]
    mx = mx_ref[b]
    o_ref[0] = (d - mn) / (mx - mn + 1e-8)


def _scale(x_p, mn, mx):
    b = x_p.shape[0]
    nb = N // _CBM
    return pl.pallas_call(
        _scale_body,
        grid=(b, nb, nb),
        in_specs=[
            pl.BlockSpec((1, _CBM, DX), lambda b_, i, j: (b_, i, 0)),
            pl.BlockSpec((1, _CBM, DX), lambda b_, i, j: (b_, j, 0)),
            pl.BlockSpec(memory_space=pltpu.SMEM),
            pl.BlockSpec(memory_space=pltpu.SMEM),
        ],
        out_specs=pl.BlockSpec((1, _CBM, _CBM), lambda b_, i, j: (b_, i, j)),
        out_shape=jax.ShapeDtypeStruct((b, N, N), jnp.float32),
    )(x_p, x_p, mn, mx)


def kernel(x, edge_weight, edges, W_rw, b_rw, ln_g, ln_b, Wh1, Wh2):
    src = edges[0]
    dst = edges[1]
    A = _sc_adjacency(src, dst, edge_weight)
    P = _normalize(A)
    P2 = _matmul(P, P)
    P3 = _matmul(P2, P)
    P4 = _matmul(P2, P2)
    diags = _diags(P, P2, P3, P4).T
    x_p = _ln(x, diags, W_rw, b_rw, ln_g, ln_b)
    mn, mx = _minmax(x_p)
    return _scale(x_p, mn, mx)

# --- scband reference (transcript-rebuilt; emitter-appended) ---
"""Pipeline reference for scband-spark-21131239097064 (READ-ONLY COPY).

The authoritative reference and input builder live on the scoring server;
editing this copy changes nothing except your own understanding.
"""

import jax, jax.numpy as jnp
import numpy as np

B = 2
N = 2048
E = 32768
DX = 128
HID = 128
KRW = 8


def _rrwp(edge_weight, edges, n, K):
    # add_full_rrwp: weighted adjacency via scatter-add, row-normalized random-walk
    # matrix P, node-level RRWP features = diag(P^k) for k=1..K.
    src = edges[0]
    dst = edges[1]
    A = jnp.zeros((n, n), dtype=jnp.float32).at[src, dst].add(jnp.abs(edge_weight))
    deg = jnp.sum(A, axis=1)
    dinv = jnp.where(deg > 0, 1.0 / deg, 0.0)
    P = dinv[:, None] * A
    diags = []
    M = P
    for _ in range(K):
        diags.append(jnp.diagonal(M))
        M = M @ P
    return jnp.stack(diags, axis=-1)  # [n, K]


def _layernorm(z, g, b):
    mu = jnp.mean(z, axis=-1, keepdims=True)
    var = jnp.mean((z - mu) ** 2, axis=-1, keepdims=True)
    return (z - mu) / jnp.sqrt(var + 1e-5) * g + b


def _proj_hyp(x):
    y = x[..., 1:]
    x0 = jnp.sqrt(jnp.clip(1.0 + jnp.sum(y * y, axis=-1, keepdims=True), 1e-7, None))
    return jnp.concatenate([x0, y], axis=-1)


def _expmap0(u):
    # Hyperboloid expmap0 with c=1 (HGCN-style clamps)
    xr = u[..., 1:]
    xn = jnp.sqrt(jnp.sum(xr * xr, axis=-1, keepdims=True))
    xn = jnp.clip(xn, 1e-15, None)
    th = jnp.clip(xn, -15.0, 15.0)
    res0 = jnp.cosh(th)
    resr = jnp.sinh(th) * xr / xn
    return _proj_hyp(jnp.concatenate([res0, resr], axis=-1))


def _cdist(x):
    sq = jnp.sum(x * x, axis=-1)
    d2 = sq[:, :, None] + sq[:, None, :] - 2.0 * jnp.einsum('bnd,bmd->bnm', x, x)
    return jnp.sqrt(jnp.clip(d2, 1e-12, None))


def _hyp_layer_discarded(h, edges, W):
    # stand-in for HyperbolicGraphConvolution: gather/scatter-add message passing
    # + linear. In the alpha==0.0 branch the torch code runs it under no_grad and
    # discards the result, so it does not affect the output.
    src = edges[0]
    dst = edges[1]
    msg = h[:, src, :]
    agg = jnp.zeros_like(h).at[:, dst, :].add(msg)
    return jax.lax.stop_gradient(agg @ W)


def setup_inputs(seed: int = 0):
    key = jax.random.key(seed)
    ks = jax.random.split(key, 8)
    x = jax.random.normal(ks[0], (B, N, DX), dtype=jnp.float32)
    edge_weight = jax.random.normal(ks[1], (E,), dtype=jnp.float32)
    edges = jax.random.randint(ks[2], (2, E), 0, N, dtype=jnp.int32)
    W_rw = jax.random.normal(ks[3], (DX, KRW), dtype=jnp.float32) * (1.0 / np.sqrt(KRW))
    b_rw = jnp.zeros((DX,), dtype=jnp.float32)
    ln_g = jnp.ones((DX,), dtype=jnp.float32)
    ln_b = jnp.zeros((DX,), dtype=jnp.float32)
    Wh1 = jax.random.normal(ks[4], (DX + 1, HID + 1), dtype=jnp.float32) * 0.05
    Wh2 = jax.random.normal(ks[5], (HID + 1, HID + 1), dtype=jnp.float32) * 0.05
    return {'x': x, 'edge_weight': edge_weight, 'edges': edges, 'W_rw': W_rw,
            'b_rw': b_rw, 'ln_g': ln_g, 'ln_b': ln_b, 'Wh1': Wh1, 'Wh2': Wh2}


def reference(x, edge_weight, edges, W_rw, b_rw, ln_g, ln_b, Wh1, Wh2):
    b, n, d = x.shape
    # rw > 0: RRWP positional features, fused in 'sum' mode with stop-grad on p
    p = _rrwp(edge_weight, edges, n, KRW)
    p = jnp.broadcast_to(p[None], (b, n, KRW))
    p = jax.lax.stop_gradient(p)  # stopgrad_p=True
    po = p @ W_rw.T + b_rw        # ln_rw = Linear(K, Dx)
    x_p = _layernorm(x + po, ln_g, ln_b)  # ln_out LayerNorm
    graph_x_e = x_p
    o = jnp.zeros_like(x_p)
    x_h = jnp.concatenate([o[..., 0:1], x_p], axis=-1)
    # proj_tan0 zeroes first coordinate -> already zero here
    graph_x_h = _expmap0(x_h)
    total_dist = None
    dist_e_list = []
    # a = alpha = 0.0 branch of the layer loop (L=2)
    for Wh in (Wh1, Wh2):
        _ = _hyp_layer_discarded(graph_x_h, edges, Wh)  # no_grad, discarded
        graph_x_h = jnp.zeros((b, n, HID + 1), dtype=x.dtype)
        dist_e = _cdist(graph_x_e)
        diag = jnp.eye(n, dtype=bool)[None]
        off = ~diag
        big = jnp.finfo(dist_e.dtype).max
        e_min = jnp.min(jnp.where(off, dist_e, big), axis=(1, 2)).reshape(b, 1, 1)
        e_max = jnp.max(jnp.where(off, dist_e, -big), axis=(1, 2)).reshape(b, 1, 1)
        dist_e_scaled = (dist_e - e_min) / (e_max - e_min + 1e-8)
        total_dist = dist_e_scaled
        dist_e_list.append(dist_e)
    return total_dist

if __name__ == "__main__":
    import jax
    _d = setup_inputs()
    print(jax.jit(kernel)(*tuple(_d.values())))

</pallas_src>

<mosaic_0001>
#map = affine_map<(d0, d1) -> (0)>
module attributes {stable_mosaic.version = 14 : i64} {
  func.func @_scatter_kernel_body(%arg0: i32, %arg1: i32, %arg2: memref<32768xi32, #tpu.memory_space<hbm>>, %arg3: memref<32768xi32, #tpu.memory_space<hbm>>, %arg4: memref<32768xf32, #tpu.memory_space<hbm>>, %arg5: memref<1050624xf32, #tpu.memory_space<hbm>>, %arg6: memref<4194304xf32, #tpu.memory_space<hbm>>, %arg7: memref<1050624xf32, #tpu.memory_space<vmem_shared>>, %arg8: memref<2048xi32, #tpu.memory_space<vmem>>, %arg9: memref<2048xi32, #tpu.memory_space<vmem>>, %arg10: memref<2048xf32, #tpu.memory_space<vmem>>, %arg11: memref<2048xi32, #tpu.memory_space<vmem>>, %arg12: memref<2048xf32, #tpu.memory_space<vmem>>) attributes {dimension_semantics = [#tpu.dimension_semantics<core_parallel>, #tpu.dimension_semantics<subcore_parallel>], iteration_bounds = array<i64: 2, 16>, scalar_prefetch = 0 : i64, scratch_operands = 6 : i64, tpu.core_type = #tpu.core_type<sc_vector_subcore>, window_params = [{transform_indices = #map}, {transform_indices = #map}, {transform_indices = #map}, {transform_indices = #map}, {transform_indices = #map}]} {
    %mul3A = arith.constant 2048 : i32
    %mul3A_0 = arith.muli %arg1, %mul3A : i32
    "tpu.trace_start"() <{level = 10 : i32, message = "edge_stage"}> : () -> ()
    "tpu.region"() ({
      %run_scoped3A = tpu.sem_alloc : memref<!tpu.dma_semaphore, #tpu.memory_space<semaphore_mem>>
      %dma_start3A = tpu.memref_slice %arg2[%mul3A_0] : memref<32768xi32, #tpu.memory_space<hbm>> -> memref<2048xi32, #tpu.memory_space<hbm>>
      %dma_start3A_61 = tpu.memref_slice %arg2[%mul3A_0] : memref<32768xi32, #tpu.memory_space<hbm>> -> memref<2048xi32, #tpu.memory_space<hbm>>
      tpu.enqueue_dma source(%dma_start3A_61 : memref<2048xi32, #tpu.memory_space<hbm>>) target(%arg8 : memref<2048xi32, #tpu.memory_space<vmem>>) target_semaphore(%run_scoped3A : memref<!tpu.dma_semaphore, #tpu.memory_space<semaphore_mem>>)
      %dma_wait3A = tpu.memref_slice %arg2[%mul3A_0] : memref<32768xi32, #tpu.memory_space<hbm>> -> memref<2048xi32, #tpu.memory_space<hbm>>
      %dma_wait3A_62 = tpu.memref_slice %arg2[%mul3A_0] : memref<32768xi32, #tpu.memory_space<hbm>> -> memref<2048xi32, #tpu.memory_space<hbm>>
      tpu.wait_dma2 semaphore(%run_scoped3A : memref<!tpu.dma_semaphore, #tpu.memory_space<semaphore_mem>>) src(%dma_wait3A_62 : memref<2048xi32, #tpu.memory_space<hbm>>) dst(%arg8 : memref<2048xi32, #tpu.memory_space<vmem>>)
      tpu.yield
    }) : () -> ()
    "tpu.region"() ({
      %run_scoped3A = tpu.sem_alloc : memref<!tpu.dma_semaphore, #tpu.memory_space<semaphore_mem>>
      %dma_start3A = tpu.memref_slice %arg3[%mul3A_0] : memref<32768xi32, #tpu.memory_space<hbm>> -> memref<2048xi32, #tpu.memory_space<hbm>>
      %dma_start3A_61 = tpu.memref_slice %arg3[%mul3A_0] : memref<32768xi32, #tpu.memory_space<hbm>> -> memref<2048xi32, #tpu.memory_space<hbm>>
      tpu.enqueue_dma source(%dma_start3A_61 : memref<2048xi32, #tpu.memory_space<hbm>>) target(%arg9 : memref<2048xi32, #tpu.memory_space<vmem>>) target_semaphore(%run_scoped3A : memref<!tpu.dma_semaphore, #tpu.memory_space<semaphore_mem>>)
      %dma_wait3A = tpu.memref_slice %arg3[%mul3A_0] : memref<32768xi32, #tpu.memory_space<hbm>> -> memref<2048xi32, #tpu.memory_space<hbm>>
      %dma_wait3A_62 = tpu.memref_slice %arg3[%mul3A_0] : memref<32768xi32, #tpu.memory_space<hbm>> -> memref<2048xi32, #tpu.memory_space<hbm>>
      tpu.wait_dma2 semaphore(%run_scoped3A : memref<!tpu.dma_semaphore, #tpu.memory_space<semaphore_mem>>) src(%dma_wait3A_62 : memref<2048xi32, #tpu.memory_space<hbm>>) dst(%arg9 : memref<2048xi32, #tpu.memory_space<vmem>>)
      tpu.yield
    }) : () -> ()
    "tpu.region"() ({
      %run_scoped3A = tpu.sem_alloc : memref<!tpu.dma_semaphore, #tpu.memory_space<semaphore_mem>>
      %dma_start3A = tpu.memref_slice %arg4[%mul3A_0] : memref<32768xf32, #tpu.memory_space<hbm>> -> memref<2048xf32, #tpu.memory_space<hbm>>
      %dma_start3A_61 = tpu.memref_slice %arg4[%mul3A_0] : memref<32768xf32, #tpu.memory_space<hbm>> -> memref<2048xf32, #tpu.memory_space<hbm>>
      tpu.enqueue_dma source(%dma_start3A_61 : memref<2048xf32, #tpu.memory_space<hbm>>) target(%arg10 : memref<2048xf32, #tpu.memory_space<vmem>>) target_semaphore(%run_scoped3A : memref<!tpu.dma_semaphore, #tpu.memory_space<semaphore_mem>>)
      %dma_wait3A = tpu.memref_slice %arg4[%mul3A_0] : memref<32768xf32, #tpu.memory_space<hbm>> -> memref<2048xf32, #tpu.memory_space<hbm>>
      %dma_wait3A_62 = tpu.memref_slice %arg4[%mul3A_0] : memref<32768xf32, #tpu.memory_space<hbm>> -> memref<2048xf32, #tpu.memory_space<hbm>>
      tpu.wait_dma2 semaphore(%run_scoped3A : memref<!tpu.dma_semaphore, #tpu.memory_space<semaphore_mem>>) src(%dma_wait3A_62 : memref<2048xf32, #tpu.memory_space<hbm>>) dst(%arg10 : memref<2048xf32, #tpu.memory_space<vmem>>)
      tpu.yield
    }) : () -> ()
    "tpu.trace_stop"() : () -> ()
    %mul3A_1 = arith.constant 1024 : i32
    %mul3A_2 = arith.muli %arg0, %mul3A_1 : i32
    %add3A = arith.constant 0 : i32
    %add3A_3 = arith.addi %mul3A_2, %add3A : i32
    "tpu.trace_start"() <{level = 10 : i32, message = "zero_spmem"}> : () -> ()
    %mul3A_4 = arith.constant 65536 : i32
    %mul3A_5 = arith.muli %arg1, %mul3A_4 : i32
    %mul3A_6 = arith.constant 65536 : i32
    %mul3A_7 = arith.muli %arg1, %mul3A_6 : i32
    "tpu.region"() ({
      %run_scoped3A = tpu.sem_alloc : memref<!tpu.dma_semaphore, #tpu.memory_space<semaphore_mem>>
      %dma_start3A = tpu.memref_slice %arg7[%mul3A_7] : memref<1050624xf32, #tpu.memory_space<vmem_shared>> -> memref<65536xf32, #tpu.memory_space<vmem_shared>>
      %dma_start3A_61 = tpu.memref_slice %arg5[%mul3A_5] : memref<1050624xf32, #tpu.memory_space<hbm>> -> memref<65536xf32, #tpu.memory_space<hbm>>
      tpu.enqueue_dma source(%dma_start3A_61 : memref<65536xf32, #tpu.memory_space<hbm>>) target(%dma_start3A : memref<65536xf32, #tpu.memory_space<vmem_shared>>) target_semaphore(%run_scoped3A : memref<!tpu.dma_semaphore, #tpu.memory_space<semaphore_mem>>)
      %dma_wait3A = tpu.memref_slice %arg7[%mul3A_7] : memref<1050624xf32, #tpu.memory_space<vmem_shared>> -> memref<65536xf32, #tpu.memory_space<vmem_shared>>
      %dma_wait3A_62 = tpu.memref_slice %arg5[%mul3A_5] : memref<1050624xf32, #tpu.memory_space<hbm>> -> memref<65536xf32, #tpu.memory_space<hbm>>
      tpu.wait_dma2 semaphore(%run_scoped3A : memref<!tpu.dma_semaphore, #tpu.memory_space<semaphore_mem>>) src(%dma_wait3A_62 : memref<65536xf32, #tpu.memory_space<hbm>>) dst(%dma_wait3A : memref<65536xf32, #tpu.memory_space<vmem_shared>>)
      tpu.yield
    }) : () -> ()
    %eq3A = arith.constant 0 : i32
    %eq3A_8 = arith.cmpi eq, %arg1, %eq3A : i32
    %convert_element_type3A = arith.extui %eq3A_8 : i1 to i32
    %cond3A = arith.constant 0 : i32
    %cond3A_9 = arith.cmpi ne, %convert_element_type3A, %cond3A : i32
    scf.if %cond3A_9 {
      "tpu.region"() ({
        %run_scoped3A = tpu.sem_alloc : memref<!tpu.dma_semaphore, #tpu.memory_space<semaphore_mem>>
        %dma_start3A = arith.constant 1048576 : i32
        %dma_start3A_61 = tpu.memref_slice %arg7[%dma_start3A] : memref<1050624xf32, #tpu.memory_space<vmem_shared>> -> memref<2048xf32, #tpu.memory_space<vmem_shared>>
        %dma_start3A_62 = arith.constant 1048576 : i32
        %dma_start3A_63 = tpu.memref_slice %arg5[%dma_start3A_62] : memref<1050624xf32, #tpu.memory_space<hbm>> -> memref<2048xf32, #tpu.memory_space<hbm>>
        tpu.enqueue_dma source(%dma_start3A_63 : memref<2048xf32, #tpu.memory_space<hbm>>) target(%dma_start3A_61 : memref<2048xf32, #tpu.memory_space<vmem_shared>>) target_semaphore(%run_scoped3A : memref<!tpu.dma_semaphore, #tpu.memory_space<semaphore_mem>>)
        %dma_wait3A = arith.constant 1048576 : i32
        %dma_wait3A_64 = tpu.memref_slice %arg7[%dma_wait3A] : memref<1050624xf32, #tpu.memory_space<vmem_shared>> -> memref<2048xf32, #tpu.memory_space<vmem_shared>>
        %dma_wait3A_65 = arith.constant 1048576 : i32
        %dma_wait3A_66 = tpu.memref_slice %arg5[%dma_wait3A_65] : memref<1050624xf32, #tpu.memory_space<hbm>> -> memref<2048xf32, #tpu.memory_space<hbm>>
        tpu.wait_dma2 semaphore(%run_scoped3A : memref<!tpu.dma_semaphore, #tpu.memory_space<semaphore_mem>>) src(%dma_wait3A_66 : memref<2048xf32, #tpu.memory_space<hbm>>) dst(%dma_wait3A_64 : memref<2048xf32, #tpu.memory_space<vmem_shared>>)
        tpu.yield
      }) : () -> ()
    } else {
    }
    %barrier3A = arith.constant 0 : index
    tpu.barrier barrier_id(%barrier3A)
    "tpu.trace_stop"() : () -> ()
    "tpu.trace_start"() <{level = 10 : i32, message = "edge_compute"}> : () -> ()
    %scan3A = arith.constant 0 : i32
    %scan3A_10 = arith.constant 128 : i32
    %scan3A_11 = arith.addi %scan3A, %scan3A_10 : i32
    %scan3A_12 = arith.constant 1 : i32
    scf.for %scan3A_61 = %scan3A to %scan3A_11 step %scan3A_12  : i32 {
      %mul3A_62 = arith.constant 16 : i32
      %mul3A_63 = arith.muli %scan3A_61, %mul3A_62 : i32
      %add3A_64 = arith.constant 0 : i32
      %add3A_65 = arith.addi %add3A_64, %mul3A_63 : i32
      %get3A = arith.index_cast %add3A_65 : i32 to index
      %get3A_66 = tpu.vector_load %arg8[%get3A] {strides = array<i32>} : memref<2048xi32, #tpu.memory_space<vmem>>, vector<16xi32>,
      %get3A_67 = vector.shape_cast %get3A_66 : vector<16xi32> to vector<16xi32>
      %get3A_68 = arith.index_cast %add3A_65 : i32 to index
      %get3A_69 = tpu.vector_load %arg9[%get3A_68] {strides = array<i32>} : memref<2048xi32, #tpu.memory_space<vmem>>, vector<16xi32>,
      %get3A_70 = vector.shape_cast %get3A_69 : vector<16xi32> to vector<16xi32>
      %get3A_71 = arith.index_cast %add3A_65 : i32 to index
      %get3A_72 = tpu.vector_load %arg10[%get3A_71] {strides = array<i32>} : memref<2048xf32, #tpu.memory_space<vmem>>, vector<16xf32>,
      %get3A_73 = vector.shape_cast %get3A_72 : vector<16xf32> to vector<16xf32>
      %abs3A = math.absf %get3A_73 : vector<16xf32>
      %sub3A = vector.broadcast %add3A_3 : i32 to vector<16xi32>
      %sub3A_74 = arith.subi %get3A_67, %sub3A : vector<16xi32>
      %ge3A = arith.constant 0 : i32
      %ge3A_75 = vector.broadcast %ge3A : i32 to vector<16xi32>
      %ge3A_76 = arith.cmpi sge, %sub3A_74, %ge3A_75 : vector<16xi32>
      %lt3A = arith.constant 512 : i32
      %lt3A_77 = vector.broadcast %lt3A : i32 to vector<16xi32>
      %lt3A_78 = arith.cmpi slt, %sub3A_74, %lt3A_77 : vector<16xi32>
      %and3A = arith.andi %ge3A_76, %lt3A_78 : vector<16xi1>
      %mul3A_79 = arith.constant 2048 : i32
      %mul3A_80 = vector.broadcast %mul3A_79 : i32 to vector<16xi32>
      %mul3A_81 = arith.muli %sub3A_74, %mul3A_80 : vector<16xi32>
      %add3A_82 = arith.addi %mul3A_81, %get3A_70 : vector<16xi32>
      %jit3A = arith.constant 1048576 : i32
      %broadcast_in_dim3A = vector.broadcast %jit3A : i32 to vector<16xi32>
      %select_n3A = arith.select %and3A, %add3A_82, %broadcast_in_dim3A : vector<16xi1>, vector<16xi32>
      %swap3A = arith.index_cast %add3A_65 : i32 to index
      %swap3A_83 = tpu.vector_load %arg11[%swap3A] {strides = array<i32>} : memref<2048xi32, #tpu.memory_space<vmem>>, vector<16xi32>,
      %swap3A_84 = vector.shape_cast %swap3A_83 : vector<16xi32> to vector<16xi32>
      %swap3A_85 = vector.shape_cast %select_n3A : vector<16xi32> to vector<16xi32>
      tpu.vector_store %arg11[%swap3A], %swap3A_85 {strides = array<i32>} : memref<2048xi32, #tpu.memory_space<vmem>>, vector<16xi32>,
      %swap3A_86 = arith.index_cast %add3A_65 : i32 to index
      %swap3A_87 = tpu.vector_load %arg12[%swap3A_86] {strides = array<i32>} : memref<2048xf32, #tpu.memory_space<vmem>>, vector<16xf32>,
      %swap3A_88 = vector.shape_cast %swap3A_87 : vector<16xf32> to vector<16xf32>
      %swap3A_89 = vector.shape_cast %abs3A : vector<16xf32> to vector<16xf32>
      tpu.vector_store %arg12[%swap3A_86], %swap3A_89 {strides = array<i32>} : memref<2048xf32, #tpu.memory_space<vmem>>, vector<16xf32>,
    }
    %scan3A_13 = arith.constant 128 : i32
    "tpu.trace_stop"() : () -> ()
    "tpu.trace_start"() <{level = 10 : i32, message = "scatter_add"}> : () -> ()
    %scan3A_14 = arith.constant 0 : i32
    %scan3A_15 = arith.constant 4 : i32
    %scan3A_16 = arith.addi %scan3A_14, %scan3A_15 : i32
    %scan3A_17 = arith.constant 1 : i32
    scf.for %scan3A_61 = %scan3A_14 to %scan3A_16 step %scan3A_17  : i32 {
      %mul3A_62 = arith.constant 512 : i32
      %mul3A_63 = arith.muli %scan3A_61, %mul3A_62 : i32
      %add3A_64 = arith.constant 0 : i32
      %add3A_65 = arith.addi %add3A_64, %mul3A_63 : i32
      "tpu.region"() ({
        %run_scoped3A = tpu.sem_alloc : memref<!tpu.dma_semaphore, #tpu.memory_space<semaphore_mem>>
        %dma_start3A = tpu.memref_slice %arg12[%add3A_65] : memref<2048xf32, #tpu.memory_space<vmem>> -> memref<512xf32, #tpu.memory_space<vmem>>
        %dma_start3A_66 = tpu.memref_slice %arg11[%add3A_65] : memref<2048xi32, #tpu.memory_space<vmem>> -> memref<512xi32, #tpu.memory_space<vmem>>
        %dma_start3A_67 = arith.constant 0 : i32
        %dma_start3A_68 = tpu.memref_slice %arg7[%dma_start3A_67] : memref<1050624xf32, #tpu.memory_space<vmem_shared>> -> memref<1050624xf32, #tpu.memory_space<vmem_shared>>
        tpu.enqueue_indirect_dma source(%dma_start3A : memref<512xf32, #tpu.memory_space<vmem>>) target(%dma_start3A_68 : memref<1050624xf32, #tpu.memory_space<vmem_shared>>) offsets(%dma_start3A_66 : memref<512xi32, #tpu.memory_space<vmem>>) semaphore(%run_scoped3A : memref<!tpu.dma_semaphore, #tpu.memory_space<semaphore_mem>>) {add = true}
        %dma_wait3A = tpu.memref_slice %arg12[%add3A_65] : memref<2048xf32, #tpu.memory_space<vmem>> -> memref<512xf32, #tpu.memory_space<vmem>>
        %dma_wait3A_69 = tpu.memref_slice %arg11[%add3A_65] : memref<2048xi32, #tpu.memory_space<vmem>> -> memref<512xi32, #tpu.memory_space<vmem>>
        %dma_wait3A_70 = arith.constant 0 : i32
        %dma_wait3A_71 = tpu.memref_slice %arg7[%dma_wait3A_70] : memref<1050624xf32, #tpu.memory_space<vmem_shared>> -> memref<1050624xf32, #tpu.memory_space<vmem_shared>>
        tpu.wait_indirect_dma semaphore(%run_scoped3A : memref<!tpu.dma_semaphore, #tpu.memory_space<semaphore_mem>>) src(%dma_wait3A : memref<512xf32, #tpu.memory_space<vmem>>) dst(%dma_wait3A_71 : memref<1050624xf32, #tpu.memory_space<vmem_shared>>)
        tpu.yield
      }) : () -> ()
    }
    %scan3A_18 = arith.constant 4 : i32
    %barrier3A_19 = arith.constant 0 : index
    tpu.barrier barrier_id(%barrier3A_19)
    "tpu.trace_stop"() : () -> ()
    "tpu.trace_start"() <{level = 10 : i32, message = "flush"}> : () -> ()
    %mul3A_20 = arith.constant 65536 : i32
    %mul3A_21 = arith.muli %arg1, %mul3A_20 : i32
    %mul3A_22 = arith.constant 2048 : i32
    %mul3A_23 = arith.muli %add3A_3, %mul3A_22 : i32
    %mul3A_24 = arith.constant 65536 : i32
    %mul3A_25 = arith.muli %arg1, %mul3A_24 : i32
    %add3A_26 = arith.addi %mul3A_23, %mul3A_25 : i32
    "tpu.region"() ({
      %run_scoped3A = tpu.sem_alloc : memref<!tpu.dma_semaphore, #tpu.memory_space<semaphore_mem>>
      %dma_start3A = tpu.memref_slice %arg6[%add3A_26] : memref<4194304xf32, #tpu.memory_space<hbm>> -> memref<65536xf32, #tpu.memory_space<hbm>>
      %dma_start3A_61 = tpu.memref_slice %arg7[%mul3A_21] : memref<1050624xf32, #tpu.memory_space<vmem_shared>> -> memref<65536xf32, #tpu.memory_space<vmem_shared>>
      tpu.enqueue_dma source(%dma_start3A_61 : memref<65536xf32, #tpu.memory_space<vmem_shared>>) target(%dma_start3A : memref<65536xf32, #tpu.memory_space<hbm>>) target_semaphore(%run_scoped3A : memref<!tpu.dma_semaphore, #tpu.memory_space<semaphore_mem>>)
      %dma_wait3A = tpu.memref_slice %arg6[%add3A_26] : memref<4194304xf32, #tpu.memory_space<hbm>> -> memref<65536xf32, #tpu.memory_space<hbm>>
      %dma_wait3A_62 = tpu.memref_slice %arg7[%mul3A_21] : memref<1050624xf32, #tpu.memory_space<vmem_shared>> -> memref<65536xf32, #tpu.memory_space<vmem_shared>>
      tpu.wait_dma2 semaphore(%run_scoped3A : memref<!tpu.dma_semaphore, #tpu.memory_space<semaphore_mem>>) src(%dma_wait3A_62 : memref<65536xf32, #tpu.memory_space<vmem_shared>>) dst(%dma_wait3A : memref<65536xf32, #tpu.memory_space<hbm>>)
      tpu.yield
    }) : () -> ()
    %barrier3A_27 = arith.constant 0 : index
    tpu.barrier barrier_id(%barrier3A_27)
    "tpu.trace_stop"() : () -> ()
    %mul3A_28 = arith.constant 1024 : i32
    %mul3A_29 = arith.muli %arg0, %mul3A_28 : i32
    %add3A_30 = arith.constant 512 : i32
    %add3A_31 = arith.addi %mul3A_29, %add3A_30 : i32
    "tpu.trace_start"() <{level = 10 : i32, message = "zero_spmem"}> : () -> ()
    %mul3A_32 = arith.constant 65536 : i32
    %mul3A_33 = arith.muli %arg1, %mul3A_32 : i32
    %mul3A_34 = arith.constant 65536 : i32
    %mul3A_35 = arith.muli %arg1, %mul3A_34 : i32
    "tpu.region"() ({
      %run_scoped3A = tpu.sem_alloc : memref<!tpu.dma_semaphore, #tpu.memory_space<semaphore_mem>>
      %dma_start3A = tpu.memref_slice %arg7[%mul3A_35] : memref<1050624xf32, #tpu.memory_space<vmem_shared>> -> memref<65536xf32, #tpu.memory_space<vmem_shared>>
      %dma_start3A_61 = tpu.memref_slice %arg5[%mul3A_33] : memref<1050624xf32, #tpu.memory_space<hbm>> -> memref<65536xf32, #tpu.memory_space<hbm>>
      tpu.enqueue_dma source(%dma_start3A_61 : memref<65536xf32, #tpu.memory_space<hbm>>) target(%dma_start3A : memref<65536xf32, #tpu.memory_space<vmem_shared>>) target_semaphore(%run_scoped3A : memref<!tpu.dma_semaphore, #tpu.memory_space<semaphore_mem>>)
      %dma_wait3A = tpu.memref_slice %arg7[%mul3A_35] : memref<1050624xf32, #tpu.memory_space<vmem_shared>> -> memref<65536xf32, #tpu.memory_space<vmem_shared>>
      %dma_wait3A_62 = tpu.memref_slice %arg5[%mul3A_33] : memref<1050624xf32, #tpu.memory_space<hbm>> -> memref<65536xf32, #tpu.memory_space<hbm>>
      tpu.wait_dma2 semaphore(%run_scoped3A : memref<!tpu.dma_semaphore, #tpu.memory_space<semaphore_mem>>) src(%dma_wait3A_62 : memref<65536xf32, #tpu.memory_space<hbm>>) dst(%dma_wait3A : memref<65536xf32, #tpu.memory_space<vmem_shared>>)
      tpu.yield
    }) : () -> ()
    %eq3A_36 = arith.constant 0 : i32
    %eq3A_37 = arith.cmpi eq, %arg1, %eq3A_36 : i32
    %convert_element_type3A_38 = arith.extui %eq3A_37 : i1 to i32
    %cond3A_39 = arith.constant 0 : i32
    %cond3A_40 = arith.cmpi ne, %convert_element_type3A_38, %cond3A_39 : i32
    scf.if %cond3A_40 {
      "tpu.region"() ({
        %run_scoped3A = tpu.sem_alloc : memref<!tpu.dma_semaphore, #tpu.memory_space<semaphore_mem>>
        %dma_start3A = arith.constant 1048576 : i32
        %dma_start3A_61 = tpu.memref_slice %arg7[%dma_start3A] : memref<1050624xf32, #tpu.memory_space<vmem_shared>> -> memref<2048xf32, #tpu.memory_space<vmem_shared>>
        %dma_start3A_62 = arith.constant 1048576 : i32
        %dma_start3A_63 = tpu.memref_slice %arg5[%dma_start3A_62] : memref<1050624xf32, #tpu.memory_space<hbm>> -> memref<2048xf32, #tpu.memory_space<hbm>>
        tpu.enqueue_dma source(%dma_start3A_63 : memref<2048xf32, #tpu.memory_space<hbm>>) target(%dma_start3A_61 : memref<2048xf32, #tpu.memory_space<vmem_shared>>) target_semaphore(%run_scoped3A : memref<!tpu.dma_semaphore, #tpu.memory_space<semaphore_mem>>)
        %dma_wait3A = arith.constant 1048576 : i32
        %dma_wait3A_64 = tpu.memref_slice %arg7[%dma_wait3A] : memref<1050624xf32, #tpu.memory_space<vmem_shared>> -> memref<2048xf32, #tpu.memory_space<vmem_shared>>
        %dma_wait3A_65 = arith.constant 1048576 : i32
        %dma_wait3A_66 = tpu.memref_slice %arg5[%dma_wait3A_65] : memref<1050624xf32, #tpu.memory_space<hbm>> -> memref<2048xf32, #tpu.memory_space<hbm>>
        tpu.wait_dma2 semaphore(%run_scoped3A : memref<!tpu.dma_semaphore, #tpu.memory_space<semaphore_mem>>) src(%dma_wait3A_66 : memref<2048xf32, #tpu.memory_space<hbm>>) dst(%dma_wait3A_64 : memref<2048xf32, #tpu.memory_space<vmem_shared>>)
        tpu.yield
      }) : () -> ()
    } else {
    }
    %barrier3A_41 = arith.constant 0 : index
    tpu.barrier barrier_id(%barrier3A_41)
    "tpu.trace_stop"() : () -> ()
    "tpu.trace_start"() <{level = 10 : i32, message = "edge_compute"}> : () -> ()
    %scan3A_42 = arith.constant 0 : i32
    %scan3A_43 = arith.constant 128 : i32
    %scan3A_44 = arith.addi %scan3A_42, %scan3A_43 : i32
    %scan3A_45 = arith.constant 1 : i32
    scf.for %scan3A_61 = %scan3A_42 to %scan3A_44 step %scan3A_45  : i32 {
      %mul3A_62 = arith.constant 16 : i32
      %mul3A_63 = arith.muli %scan3A_61, %mul3A_62 : i32
      %add3A_64 = arith.constant 0 : i32
      %add3A_65 = arith.addi %add3A_64, %mul3A_63 : i32
      %get3A = arith.index_cast %add3A_65 : i32 to index
      %get3A_66 = tpu.vector_load %arg8[%get3A] {strides = array<i32>} : memref<2048xi32, #tpu.memory_space<vmem>>, vector<16xi32>,
      %get3A_67 = vector.shape_cast %get3A_66 : vector<16xi32> to vector<16xi32>
      %get3A_68 = arith.index_cast %add3A_65 : i32 to index
      %get3A_69 = tpu.vector_load %arg9[%get3A_68] {strides = array<i32>} : memref<2048xi32, #tpu.memory_space<vmem>>, vector<16xi32>,
      %get3A_70 = vector.shape_cast %get3A_69 : vector<16xi32> to vector<16xi32>
      %get3A_71 = arith.index_cast %add3A_65 : i32 to index
      %get3A_72 = tpu.vector_load %arg10[%get3A_71] {strides = array<i32>} : memref<2048xf32, #tpu.memory_space<vmem>>, vector<16xf32>,
      %get3A_73 = vector.shape_cast %get3A_72 : vector<16xf32> to vector<16xf32>
      %abs3A = math.absf %get3A_73 : vector<16xf32>
      %sub3A = vector.broadcast %add3A_31 : i32 to vector<16xi32>
      %sub3A_74 = arith.subi %get3A_67, %sub3A : vector<16xi32>
      %ge3A = arith.constant 0 : i32
      %ge3A_75 = vector.broadcast %ge3A : i32 to vector<16xi32>
      %ge3A_76 = arith.cmpi sge, %sub3A_74, %ge3A_75 : vector<16xi32>
      %lt3A = arith.constant 512 : i32
      %lt3A_77 = vector.broadcast %lt3A : i32 to vector<16xi32>
      %lt3A_78 = arith.cmpi slt, %sub3A_74, %lt3A_77 : vector<16xi32>
      %and3A = arith.andi %ge3A_76, %lt3A_78 : vector<16xi1>
      %mul3A_79 = arith.constant 2048 : i32
      %mul3A_80 = vector.broadcast %mul3A_79 : i32 to vector<16xi32>
      %mul3A_81 = arith.muli %sub3A_74, %mul3A_80 : vector<16xi32>
      %add3A_82 = arith.addi %mul3A_81, %get3A_70 : vector<16xi32>
      %jit3A = arith.constant 1048576 : i32
      %broadcast_in_dim3A = vector.broadcast %jit3A : i32 to vector<16xi32>
      %select_n3A = arith.select %and3A, %add3A_82, %broadcast_in_dim3A : vector<16xi1>, vector<16xi32>
      %swap3A = arith.index_cast %add3A_65 : i32 to index
      %swap3A_83 = tpu.vector_load %arg11[%swap3A] {strides = array<i32>} : memref<2048xi32, #tpu.memory_space<vmem>>, vector<16xi32>,
      %swap3A_84 = vector.shape_cast %swap3A_83 : vector<16xi32> to vector<16xi32>
      %swap3A_85 = vector.shape_cast %select_n3A : vector<16xi32> to vector<16xi32>
      tpu.vector_store %arg11[%swap3A], %swap3A_85 {strides = array<i32>} : memref<2048xi32, #tpu.memory_space<vmem>>, vector<16xi32>,
      %swap3A_86 = arith.index_cast %add3A_65 : i32 to index
      %swap3A_87 = tpu.vector_load %arg12[%swap3A_86] {strides = array<i32>} : memref<2048xf32, #tpu.memory_space<vmem>>, vector<16xf32>,
      %swap3A_88 = vector.shape_cast %swap3A_87 : vector<16xf32> to vector<16xf32>
      %swap3A_89 = vector.shape_cast %abs3A : vector<16xf32> to vector<16xf32>
      tpu.vector_store %arg12[%swap3A_86], %swap3A_89 {strides = array<i32>} : memref<2048xf32, #tpu.memory_space<vmem>>, vector<16xf32>,
    }
    %scan3A_46 = arith.constant 128 : i32
    "tpu.trace_stop"() : () -> ()
    "tpu.trace_start"() <{level = 10 : i32, message = "scatter_add"}> : () -> ()
    %scan3A_47 = arith.constant 0 : i32
    %scan3A_48 = arith.constant 4 : i32
    %scan3A_49 = arith.addi %scan3A_47, %scan3A_48 : i32
    %scan3A_50 = arith.constant 1 : i32
    scf.for %scan3A_61 = %scan3A_47 to %scan3A_49 step %scan3A_50  : i32 {
      %mul3A_62 = arith.constant 512 : i32
      %mul3A_63 = arith.muli %scan3A_61, %mul3A_62 : i32
      %add3A_64 = arith.constant 0 : i32
      %add3A_65 = arith.addi %add3A_64, %mul3A_63 : i32
      "tpu.region"() ({
        %run_scoped3A = tpu.sem_alloc : memref<!tpu.dma_semaphore, #tpu.memory_space<semaphore_mem>>
        %dma_start3A = tpu.memref_slice %arg12[%add3A_65] : memref<2048xf32, #tpu.memory_space<vmem>> -> memref<512xf32, #tpu.memory_space<vmem>>
        %dma_start3A_66 = tpu.memref_slice %arg11[%add3A_65] : memref<2048xi32, #tpu.memory_space<vmem>> -> memref<512xi32, #tpu.memory_space<vmem>>
        %dma_start3A_67 = arith.constant 0 : i32
        %dma_start3A_68 = tpu.memref_slice %arg7[%dma_start3A_67] : memref<1050624xf32, #tpu.memory_space<vmem_shared>> -> memref<1050624xf32, #tpu.memory_space<vmem_shared>>
        tpu.enqueue_indirect_dma source(%dma_start3A : memref<512xf32, #tpu.memory_space<vmem>>) target(%dma_start3A_68 : memref<1050624xf32, #tpu.memory_space<vmem_shared>>) offsets(%dma_start3A_66 : memref<512xi32, #tpu.memory_space<vmem>>) semaphore(%run_scoped3A : memref<!tpu.dma_semaphore, #tpu.memory_space<semaphore_mem>>) {add = true}
        %dma_wait3A = tpu.memref_slice %arg12[%add3A_65] : memref<2048xf32, #tpu.memory_space<vmem>> -> memref<512xf32, #tpu.memory_space<vmem>>
        %dma_wait3A_69 = tpu.memref_slice %arg11[%add3A_65] : memref<2048xi32, #tpu.memory_space<vmem>> -> memref<512xi32, #tpu.memory_space<vmem>>
        %dma_wait3A_70 = arith.constant 0 : i32
        %dma_wait3A_71 = tpu.memref_slice %arg7[%dma_wait3A_70] : memref<1050624xf32, #tpu.memory_space<vmem_shared>> -> memref<1050624xf32, #tpu.memory_space<vmem_shared>>
        tpu.wait_indirect_dma semaphore(%run_scoped3A : memref<!tpu.dma_semaphore, #tpu.memory_space<semaphore_mem>>) src(%dma_wait3A : memref<512xf32, #tpu.memory_space<vmem>>) dst(%dma_wait3A_71 : memref<1050624xf32, #tpu.memory_space<vmem_shared>>)
        tpu.yield
      }) : () -> ()
    }
    %scan3A_51 = arith.constant 4 : i32
    %barrier3A_52 = arith.constant 0 : index
    tpu.barrier barrier_id(%barrier3A_52)
    "tpu.trace_stop"() : () -> ()
    "tpu.trace_start"() <{level = 10 : i32, message = "flush"}> : () -> ()
    %mul3A_53 = arith.constant 65536 : i32
    %mul3A_54 = arith.muli %arg1, %mul3A_53 : i32
    %mul3A_55 = arith.constant 2048 : i32
    %mul3A_56 = arith.muli %add3A_31, %mul3A_55 : i32
    %mul3A_57 = arith.constant 65536 : i32
    %mul3A_58 = arith.muli %arg1, %mul3A_57 : i32
    %add3A_59 = arith.addi %mul3A_56, %mul3A_58 : i32
    "tpu.region"() ({
      %run_scoped3A = tpu.sem_alloc : memref<!tpu.dma_semaphore, #tpu.memory_space<semaphore_mem>>
      %dma_start3A = tpu.memref_slice %arg6[%add3A_59] : memref<4194304xf32, #tpu.memory_space<hbm>> -> memref<65536xf32, #tpu.memory_space<hbm>>
      %dma_start3A_61 = tpu.memref_slice %arg7[%mul3A_54] : memref<1050624xf32, #tpu.memory_space<vmem_shared>> -> memref<65536xf32, #tpu.memory_space<vmem_shared>>
      tpu.enqueue_dma source(%dma_start3A_61 : memref<65536xf32, #tpu.memory_space<vmem_shared>>) target(%dma_start3A : memref<65536xf32, #tpu.memory_space<hbm>>) target_semaphore(%run_scoped3A : memref<!tpu.dma_semaphore, #tpu.memory_space<semaphore_mem>>)
      %dma_wait3A = tpu.memref_slice %arg6[%add3A_59] : memref<4194304xf32, #tpu.memory_space<hbm>> -> memref<65536xf32, #tpu.memory_space<hbm>>
      %dma_wait3A_62 = tpu.memref_slice %arg7[%mul3A_54] : memref<1050624xf32, #tpu.memory_space<vmem_shared>> -> memref<65536xf32, #tpu.memory_space<vmem_shared>>
      tpu.wait_dma2 semaphore(%run_scoped3A : memref<!tpu.dma_semaphore, #tpu.memory_space<semaphore_mem>>) src(%dma_wait3A_62 : memref<65536xf32, #tpu.memory_space<vmem_shared>>) dst(%dma_wait3A : memref<65536xf32, #tpu.memory_space<hbm>>)
      tpu.yield
    }) : () -> ()
    %barrier3A_60 = arith.constant 0 : index
    tpu.barrier barrier_id(%barrier3A_60)
    "tpu.trace_stop"() : () -> ()
    return
  }
}

module attributes {stable_mosaic.version = 14 : i64} {
  func.func @_normalize_body(%arg0: i32, %arg1: memref<524288xf32, #tpu.memory_space<vmem>>, %arg2: memref<256x2048xbf16, #tpu.memory_space<vmem>>) attributes {dimension_semantics = [#tpu.dimension_semantics<arbitrary>], iteration_bounds = array<i64: 8>, scalar_prefetch = 0 : i64, scratch_operands = 0 : i64, tpu.core_type = #tpu.core_type<tc>, window_params = [{transform_indices = @transform_0, window_bounds = array<i64: 524288>}, {transform_indices = @transform_1, window_bounds = array<i64: 256, 2048>}]} {
    %get3A = arith.constant 0 : index
    %get3A_0 = vector.load %arg1[%get3A] : memref<524288xf32, #tpu.memory_space<vmem>>, vector<524288xf32>
    %reshape3A = vector.shape_cast %get3A_0 : vector<524288xf32> to vector<256x2048xf32>
    %reduce_sum3A = arith.constant dense<0.000000e+00> : vector<256xf32>
    %reduce_sum3A_1 = vector.multi_reduction <add>, %reshape3A, %reduce_sum3A [1] : vector<256x2048xf32> to vector<256xf32>
    %broadcast_in_dim3A = vector.shape_cast %reduce_sum3A_1 : vector<256xf32> to vector<256x1xf32>
    %gt3A = arith.constant 0.000000e+00 : f32
    %gt3A_2 = vector.broadcast %gt3A : f32 to vector<256x1xf32>
    %gt3A_3 = arith.cmpf ogt, %broadcast_in_dim3A, %gt3A_2 : vector<256x1xf32>
    %div3A = arith.constant 1.000000e+00 : f32
    %div3A_4 = vector.broadcast %div3A : f32 to vector<256x1xf32>
    %div3A_5 = arith.divf %div3A_4, %broadcast_in_dim3A : vector<256x1xf32>
    %jit3A = arith.constant 0.000000e+00 : f32
    %broadcast_in_dim3A_6 = vector.broadcast %jit3A : f32 to vector<256x1xf32>
    %select_n3A = arith.select %gt3A_3, %div3A_5, %broadcast_in_dim3A_6 : vector<256x1xi1>, vector<256x1xf32>
    %mul3A = vector.broadcast %select_n3A : vector<256x1xf32> to vector<256x2048xf32>
    %mul3A_7 = arith.mulf %reshape3A, %mul3A : vector<256x2048xf32>
    %convert_element_type3A = arith.truncf %mul3A_7 : vector<256x2048xf32> to vector<256x2048xbf16>
    %swap3A = arith.constant 0 : index
    %swap3A_8 = arith.constant 0 : index
    %swap3A_9 = vector.load %arg2[%swap3A, %swap3A_8] : memref<256x2048xbf16, #tpu.memory_space<vmem>>, vector<256x2048xbf16>
    tpu.vector_store %arg2[%swap3A, %swap3A_8], %convert_element_type3A {strides = array<i32>} : memref<256x2048xbf16, #tpu.memory_space<vmem>>, vector<256x2048xbf16>,
    return
  }
  func.func @transform_0(%arg0: i32) -> i32 {
    %c0_i32 = arith.constant 0 : i32
    return %arg0 : i32
  }
  func.func @transform_1(%arg0: i32) -> (i32, i32) {
    %c0_i32 = arith.constant 0 : i32
    %c0_i32_0 = arith.constant 0 : i32
    return %arg0, %c0_i32 : i32, i32
  }
}

module attributes {stable_mosaic.version = 14 : i64} {
  func.func @_matmul_body(%arg0: i32, %arg1: i32, %arg2: memref<1024x2048xbf16, #tpu.memory_space<vmem>>, %arg3: memref<2048x1024xbf16, #tpu.memory_space<vmem>>, %arg4: memref<1024x1024xbf16, #tpu.memory_space<vmem>>) attributes {dimension_semantics = [#tpu.dimension_semantics<arbitrary>, #tpu.dimension_semantics<arbitrary>], iteration_bounds = array<i64: 2, 2>, scalar_prefetch = 0 : i64, scratch_operands = 0 : i64, tpu.core_type = #tpu.core_type<tc>, window_params = [{transform_indices = @transform_0, window_bounds = array<i64: 1024, 2048>}, {transform_indices = @transform_1, window_bounds = array<i64: 2048, 1024>}, {transform_indices = @transform_2, window_bounds = array<i64: 1024, 1024>}]} {
    %get3A = arith.constant 0 : index
    %get3A_0 = arith.constant 0 : index
    %get3A_1 = vector.load %arg2[%get3A, %get3A_0] : memref<1024x2048xbf16, #tpu.memory_space<vmem>>, vector<1024x2048xbf16>
    %get3A_2 = arith.constant 0 : index
    %get3A_3 = arith.constant 0 : index
    %get3A_4 = vector.load %arg3[%get3A_2, %get3A_3] : memref<2048x1024xbf16, #tpu.memory_space<vmem>>, vector<2048x1024xbf16>
    %dot_general3A = arith.constant dense<0.000000e+00> : vector<1024x1024xf32>
    %dot_general3A_5 = tpu.matmul %get3A_1, %get3A_4, %dot_general3A {dimension_numbers = #tpu.dot_dimension_numbers<[1], [0], [0], [1], [0, 0, 1, 1], [], []>, transpose_lhs_hint = false} : vector<1024x2048xbf16>, vector<2048x1024xbf16>, vector<1024x1024xf32> -> vector<1024x1024xf32>
    %convert_element_type3A = arith.truncf %dot_general3A_5 : vector<1024x1024xf32> to vector<1024x1024xbf16>
    %swap3A = arith.constant 0 : index
    %swap3A_6 = arith.constant 0 : index
    %swap3A_7 = vector.load %arg4[%swap3A, %swap3A_6] : memref<1024x1024xbf16, #tpu.memory_space<vmem>>, vector<1024x1024xbf16>
    tpu.vector_store %arg4[%swap3A, %swap3A_6], %convert_element_type3A {strides = array<i32>} : memref<1024x1024xbf16, #tpu.memory_space<vmem>>, vector<1024x1024xbf16>,
    return
  }
  func.func @transform_0(%arg0: i32, %arg1: i32) -> (i32, i32) {
    %c0_i32 = arith.constant 0 : i32
    %c0_i32_0 = arith.constant 0 : i32
    return %arg0, %c0_i32 : i32, i32
  }
  func.func @transform_1(%arg0: i32, %arg1: i32) -> (i32, i32) {
    %c0_i32 = arith.constant 0 : i32
    %c0_i32_0 = arith.constant 0 : i32
    return %c0_i32, %arg1 : i32, i32
  }
  func.func @transform_2(%arg0: i32, %arg1: i32) -> (i32, i32) {
    %c0_i32 = arith.constant 0 : i32
    return %arg0, %arg1 : i32, i32
  }
}

module attributes {stable_mosaic.version = 14 : i64} {
  func.func @_diag_body(%arg0: i32, %arg1: memref<256x2048xbf16, #tpu.memory_space<vmem>>, %arg2: memref<256x2048xbf16, #tpu.memory_space<vmem>>, %arg3: memref<256x2048xbf16, #tpu.memory_space<vmem>>, %arg4: memref<2048x256xbf16, #tpu.memory_space<vmem>>, %arg5: memref<2048x256xbf16, #tpu.memory_space<vmem>>, %arg6: memref<2048x256xbf16, #tpu.memory_space<vmem>>, %arg7: memref<2048x256xbf16, #tpu.memory_space<vmem>>, %arg8: memref<8x256xf32, #tpu.memory_space<vmem>>) attributes {dimension_semantics = [#tpu.dimension_semantics<arbitrary>], iteration_bounds = array<i64: 8>, scalar_prefetch = 0 : i64, scratch_operands = 0 : i64, tpu.core_type = #tpu.core_type<tc>, window_params = [{transform_indices = @transform_0, window_bounds = array<i64: 256, 2048>}, {transform_indices = @transform_1, window_bounds = array<i64: 256, 2048>}, {transform_indices = @transform_2, window_bounds = array<i64: 256, 2048>}, {transform_indices = @transform_3, window_bounds = array<i64: 2048, 256>}, {transform_indices = @transform_4, window_bounds = array<i64: 2048, 256>}, {transform_indices = @transform_5, window_bounds = array<i64: 2048, 256>}, {transform_indices = @transform_6, window_bounds = array<i64: 2048, 256>}, {transform_indices = @transform_7, window_bounds = array<i64: 8, 256>}]} {
    %get3A = arith.constant 0 : index
    %get3A_0 = arith.constant 0 : index
    %get3A_1 = vector.load %arg1[%get3A, %get3A_0] : memref<256x2048xbf16, #tpu.memory_space<vmem>>, vector<256x2048xbf16>
    %get3A_2 = arith.constant 0 : index
    %get3A_3 = arith.constant 0 : index
    %get3A_4 = vector.load %arg2[%get3A_2, %get3A_3] : memref<256x2048xbf16, #tpu.memory_space<vmem>>, vector<256x2048xbf16>
    %get3A_5 = arith.constant 0 : index
    %get3A_6 = arith.constant 0 : index
    %get3A_7 = vector.load %arg3[%get3A_5, %get3A_6] : memref<256x2048xbf16, #tpu.memory_space<vmem>>, vector<256x2048xbf16>
    %get3A_8 = arith.constant 0 : index
    %get3A_9 = arith.constant 0 : index
    %get3A_10 = vector.load %arg4[%get3A_8, %get3A_9] : memref<2048x256xbf16, #tpu.memory_space<vmem>>, vector<2048x256xbf16>
    %get3A_11 = arith.constant 0 : index
    %get3A_12 = arith.constant 0 : index
    %get3A_13 = vector.load %arg5[%get3A_11, %get3A_12] : memref<2048x256xbf16, #tpu.memory_space<vmem>>, vector<2048x256xbf16>
    %get3A_14 = arith.constant 0 : index
    %get3A_15 = arith.constant 0 : index
    %get3A_16 = vector.load %arg6[%get3A_14, %get3A_15] : memref<2048x256xbf16, #tpu.memory_space<vmem>>, vector<2048x256xbf16>
    %get3A_17 = arith.constant 0 : index
    %get3A_18 = arith.constant 0 : index
    %get3A_19 = vector.load %arg7[%get3A_17, %get3A_18] : memref<2048x256xbf16, #tpu.memory_space<vmem>>, vector<2048x256xbf16>
    %iota3A = tpu.iota {dimensions = array<i32: 0>} : vector<256x256xi32>
    %iota3A_20 = tpu.iota {dimensions = array<i32: 1>} : vector<256x256xi32>
    %eq3A = arith.cmpi eq, %iota3A, %iota3A_20 : vector<256x256xi32>
    %mul3A = arith.constant 256 : i32
    %mul3A_21 = arith.muli %arg0, %mul3A : i32
    %get3A_22 = arith.constant 0 : index
    %get3A_23 = arith.index_cast %mul3A_21 : i32 to index
    %get3A_24 = vector.load %arg1[%get3A_22, %get3A_23] : memref<256x2048xbf16, #tpu.memory_space<vmem>>, vector<256x256xbf16>
    %convert_element_type3A = arith.extf %get3A_24 : vector<256x256xbf16> to vector<256x256xf32>
    %jit3A = arith.constant 0.000000e+00 : f32
    %broadcast_in_dim3A = vector.broadcast %jit3A : f32 to vector<256x256xf32>
    %select_n3A = arith.select %eq3A, %convert_element_type3A, %broadcast_in_dim3A : vector<256x256xi1>, vector<256x256xf32>
    %reduce_sum3A = arith.constant dense<0.000000e+00> : vector<256xf32>
    %reduce_sum3A_25 = vector.multi_reduction <add>, %select_n3A, %reduce_sum3A [1] : vector<256x256xf32> to vector<256xf32>
    %swap3A = arith.constant 0 : index
    %swap3A_26 = arith.constant 0 : index
    %swap3A_27 = vector.load %arg8[%swap3A, %swap3A_26] : memref<8x256xf32, #tpu.memory_space<vmem>>, vector<1x256xf32>
    %swap3A_28 = vector.shape_cast %swap3A_27 : vector<1x256xf32> to vector<256xf32>
    %swap3A_29 = vector.shape_cast %reduce_sum3A_25 : vector<256xf32> to vector<1x256xf32>
    tpu.vector_store %arg8[%swap3A, %swap3A_26], %swap3A_29 {strides = array<i32>} : memref<8x256xf32, #tpu.memory_space<vmem>>, vector<1x256xf32>,
    %dot_general3A = arith.constant dense<0.000000e+00> : vector<256x256xf32>
    %dot_general3A_30 = tpu.matmul %get3A_1, %get3A_10, %dot_general3A {dimension_numbers = #tpu.dot_dimension_numbers<[1], [0], [0], [1], [0, 0, 1, 1], [], []>, transpose_lhs_hint = false} : vector<256x2048xbf16>, vector<2048x256xbf16>, vector<256x256xf32> -> vector<256x256xf32>
    %jit3A_31 = arith.constant 0.000000e+00 : f32
    %broadcast_in_dim3A_32 = vector.broadcast %jit3A_31 : f32 to vector<256x256xf32>
    %select_n3A_33 = arith.select %eq3A, %dot_general3A_30, %broadcast_in_dim3A_32 : vector<256x256xi1>, vector<256x256xf32>
    %reduce_sum3A_34 = arith.constant dense<0.000000e+00> : vector<256xf32>
    %reduce_sum3A_35 = vector.multi_reduction <add>, %select_n3A_33, %reduce_sum3A_34 [1] : vector<256x256xf32> to vector<256xf32>
    %swap3A_36 = arith.constant 1 : index
    %swap3A_37 = arith.constant 0 : index
    %swap3A_38 = vector.load %arg8[%swap3A_36, %swap3A_37] : memref<8x256xf32, #tpu.memory_space<vmem>>, vector<1x256xf32>
    %swap3A_39 = vector.shape_cast %swap3A_38 : vector<1x256xf32> to vector<256xf32>
    %swap3A_40 = vector.shape_cast %reduce_sum3A_35 : vector<256xf32> to vector<1x256xf32>
    tpu.vector_store %arg8[%swap3A_36, %swap3A_37], %swap3A_40 {strides = array<i32>} : memref<8x256xf32, #tpu.memory_space<vmem>>, vector<1x256xf32>,
    %dot_general3A_41 = arith.constant dense<0.000000e+00> : vector<256x256xf32>
    %dot_general3A_42 = tpu.matmul %get3A_4, %get3A_10, %dot_general3A_41 {dimension_numbers = #tpu.dot_dimension_numbers<[1], [0], [0], [1], [0, 0, 1, 1], [], []>, transpose_lhs_hint = false} : vector<256x2048xbf16>, vector<2048x256xbf16>, vector<256x256xf32> -> vector<256x256xf32>
    %jit3A_43 = arith.constant 0.000000e+00 : f32
    %broadcast_in_dim3A_44 = vector.broadcast %jit3A_43 : f32 to vector<256x256xf32>
    %select_n3A_45 = arith.select %eq3A, %dot_general3A_42, %broadcast_in_dim3A_44 : vector<256x256xi1>, vector<256x256xf32>
    %reduce_sum3A_46 = arith.constant dense<0.000000e+00> : vector<256xf32>
    %reduce_sum3A_47 = vector.multi_reduction <add>, %select_n3A_45, %reduce_sum3A_46 [1] : vector<256x256xf32> to vector<256xf32>
    %swap3A_48 = arith.constant 2 : index
    %swap3A_49 = arith.constant 0 : index
    %swap3A_50 = vector.load %arg8[%swap3A_48, %swap3A_49] : memref<8x256xf32, #tpu.memory_space<vmem>>, vector<1x256xf32>
    %swap3A_51 = vector.shape_cast %swap3A_50 : vector<1x256xf32> to vector<256xf32>
    %swap3A_52 = vector.shape_cast %reduce_sum3A_47 : vector<256xf32> to vector<1x256xf32>
    tpu.vector_store %arg8[%swap3A_48, %swap3A_49], %swap3A_52 {strides = array<i32>} : memref<8x256xf32, #tpu.memory_space<vmem>>, vector<1x256xf32>,
    %dot_general3A_53 = arith.constant dense<0.000000e+00> : vector<256x256xf32>
    %dot_general3A_54 = tpu.matmul %get3A_4, %get3A_13, %dot_general3A_53 {dimension_numbers = #tpu.dot_dimension_numbers<[1], [0], [0], [1], [0, 0, 1, 1], [], []>, transpose_lhs_hint = false} : vector<256x2048xbf16>, vector<2048x256xbf16>, vector<256x256xf32> -> vector<256x256xf32>
    %jit3A_55 = arith.constant 0.000000e+00 : f32
    %broadcast_in_dim3A_56 = vector.broadcast %jit3A_55 : f32 to vector<256x256xf32>
    %select_n3A_57 = arith.select %eq3A, %dot_general3A_54, %broadcast_in_dim3A_56 : vector<256x256xi1>, vector<256x256xf32>
    %reduce_sum3A_58 = arith.constant dense<0.000000e+00> : vector<256xf32>
    %reduce_sum3A_59 = vector.multi_reduction <add>, %select_n3A_57, %reduce_sum3A_58 [1] : vector<256x256xf32> to vector<256xf32>
    %swap3A_60 = arith.constant 3 : index
    %swap3A_61 = arith.constant 0 : index
    %swap3A_62 = vector.load %arg8[%swap3A_60, %swap3A_61] : memref<8x256xf32, #tpu.memory_space<vmem>>, vector<1x256xf32>
    %swap3A_63 = vector.shape_cast %swap3A_62 : vector<1x256xf32> to vector<256xf32>
    %swap3A_64 = vector.shape_cast %reduce_sum3A_59 : vector<256xf32> to vector<1x256xf32>
    tpu.vector_store %arg8[%swap3A_60, %swap3A_61], %swap3A_64 {strides = array<i32>} : memref<8x256xf32, #tpu.memory_space<vmem>>, vector<1x256xf32>,
    %dot_general3A_65 = arith.constant dense<0.000000e+00> : vector<256x256xf32>
    %dot_general3A_66 = tpu.matmul %get3A_7, %get3A_10, %dot_general3A_65 {dimension_numbers = #tpu.dot_dimension_numbers<[1], [0], [0], [1], [0, 0, 1, 1], [], []>, transpose_lhs_hint = false} : vector<256x2048xbf16>, vector<2048x256xbf16>, vector<256x256xf32> -> vector<256x256xf32>
    %jit3A_67 = arith.constant 0.000000e+00 : f32
    %broadcast_in_dim3A_68 = vector.broadcast %jit3A_67 : f32 to vector<256x256xf32>
    %select_n3A_69 = arith.select %eq3A, %dot_general3A_66, %broadcast_in_dim3A_68 : vector<256x256xi1>, vector<256x256xf32>
    %reduce_sum3A_70 = arith.constant dense<0.000000e+00> : vector<256xf32>
    %reduce_sum3A_71 = vector.multi_reduction <add>, %select_n3A_69, %reduce_sum3A_70 [1] : vector<256x256xf32> to vector<256xf32>
    %swap3A_72 = arith.constant 4 : index
    %swap3A_73 = arith.constant 0 : index
    %swap3A_74 = vector.load %arg8[%swap3A_72, %swap3A_73] : memref<8x256xf32, #tpu.memory_space<vmem>>, vector<1x256xf32>
    %swap3A_75 = vector.shape_cast %swap3A_74 : vector<1x256xf32> to vector<256xf32>
    %swap3A_76 = vector.shape_cast %reduce_sum3A_71 : vector<256xf32> to vector<1x256xf32>
    tpu.vector_store %arg8[%swap3A_72, %swap3A_73], %swap3A_76 {strides = array<i32>} : memref<8x256xf32, #tpu.memory_space<vmem>>, vector<1x256xf32>,
    %dot_general3A_77 = arith.constant dense<0.000000e+00> : vector<256x256xf32>
    %dot_general3A_78 = tpu.matmul %get3A_7, %get3A_13, %dot_general3A_77 {dimension_numbers = #tpu.dot_dimension_numbers<[1], [0], [0], [1], [0, 0, 1, 1], [], []>, transpose_lhs_hint = false} : vector<256x2048xbf16>, vector<2048x256xbf16>, vector<256x256xf32> -> vector<256x256xf32>
    %jit3A_79 = arith.constant 0.000000e+00 : f32
    %broadcast_in_dim3A_80 = vector.broadcast %jit3A_79 : f32 to vector<256x256xf32>
    %select_n3A_81 = arith.select %eq3A, %dot_general3A_78, %broadcast_in_dim3A_80 : vector<256x256xi1>, vector<256x256xf32>
    %reduce_sum3A_82 = arith.constant dense<0.000000e+00> : vector<256xf32>
    %reduce_sum3A_83 = vector.multi_reduction <add>, %select_n3A_81, %reduce_sum3A_82 [1] : vector<256x256xf32> to vector<256xf32>
    %swap3A_84 = arith.constant 5 : index
    %swap3A_85 = arith.constant 0 : index
    %swap3A_86 = vector.load %arg8[%swap3A_84, %swap3A_85] : memref<8x256xf32, #tpu.memory_space<vmem>>, vector<1x256xf32>
    %swap3A_87 = vector.shape_cast %swap3A_86 : vector<1x256xf32> to vector<256xf32>
    %swap3A_88 = vector.shape_cast %reduce_sum3A_83 : vector<256xf32> to vector<1x256xf32>
    tpu.vector_store %arg8[%swap3A_84, %swap3A_85], %swap3A_88 {strides = array<i32>} : memref<8x256xf32, #tpu.memory_space<vmem>>, vector<1x256xf32>,
    %dot_general3A_89 = arith.constant dense<0.000000e+00> : vector<256x256xf32>
    %dot_general3A_90 = tpu.matmul %get3A_7, %get3A_16, %dot_general3A_89 {dimension_numbers = #tpu.dot_dimension_numbers<[1], [0], [0], [1], [0, 0, 1, 1], [], []>, transpose_lhs_hint = false} : vector<256x2048xbf16>, vector<2048x256xbf16>, vector<256x256xf32> -> vector<256x256xf32>
    %jit3A_91 = arith.constant 0.000000e+00 : f32
    %broadcast_in_dim3A_92 = vector.broadcast %jit3A_91 : f32 to vector<256x256xf32>
    %select_n3A_93 = arith.select %eq3A, %dot_general3A_90, %broadcast_in_dim3A_92 : vector<256x256xi1>, vector<256x256xf32>
    %reduce_sum3A_94 = arith.constant dense<0.000000e+00> : vector<256xf32>
    %reduce_sum3A_95 = vector.multi_reduction <add>, %select_n3A_93, %reduce_sum3A_94 [1] : vector<256x256xf32> to vector<256xf32>
    %swap3A_96 = arith.constant 6 : index
    %swap3A_97 = arith.constant 0 : index
    %swap3A_98 = vector.load %arg8[%swap3A_96, %swap3A_97] : memref<8x256xf32, #tpu.memory_space<vmem>>, vector<1x256xf32>
    %swap3A_99 = vector.shape_cast %swap3A_98 : vector<1x256xf32> to vector<256xf32>
    %swap3A_100 = vector.shape_cast %reduce_sum3A_95 : vector<256xf32> to vector<1x256xf32>
    tpu.vector_store %arg8[%swap3A_96, %swap3A_97], %swap3A_100 {strides = array<i32>} : memref<8x256xf32, #tpu.memory_space<vmem>>, vector<1x256xf32>,
    %dot_general3A_101 = arith.constant dense<0.000000e+00> : vector<256x256xf32>
    %dot_general3A_102 = tpu.matmul %get3A_7, %get3A_19, %dot_general3A_101 {dimension_numbers = #tpu.dot_dimension_numbers<[1], [0], [0], [1], [0, 0, 1, 1], [], []>, transpose_lhs_hint = false} : vector<256x2048xbf16>, vector<2048x256xbf16>, vector<256x256xf32> -> vector<256x256xf32>
    %jit3A_103 = arith.constant 0.000000e+00 : f32
    %broadcast_in_dim3A_104 = vector.broadcast %jit3A_103 : f32 to vector<256x256xf32>
    %select_n3A_105 = arith.select %eq3A, %dot_general3A_102, %broadcast_in_dim3A_104 : vector<256x256xi1>, vector<256x256xf32>
    %reduce_sum3A_106 = arith.constant dense<0.000000e+00> : vector<256xf32>
    %reduce_sum3A_107 = vector.multi_reduction <add>, %select_n3A_105, %reduce_sum3A_106 [1] : vector<256x256xf32> to vector<256xf32>
    %swap3A_108 = arith.constant 7 : index
    %swap3A_109 = arith.constant 0 : index
    %swap3A_110 = vector.load %arg8[%swap3A_108, %swap3A_109] : memref<8x256xf32, #tpu.memory_space<vmem>>, vector<1x256xf32>
    %swap3A_111 = vector.shape_cast %swap3A_110 : vector<1x256xf32> to vector<256xf32>
    %swap3A_112 = vector.shape_cast %reduce_sum3A_107 : vector<256xf32> to vector<1x256xf32>
    tpu.vector_store %arg8[%swap3A_108, %swap3A_109], %swap3A_112 {strides = array<i32>} : memref<8x256xf32, #tpu.memory_space<vmem>>, vector<1x256xf32>,
    return
  }
  func.func @transform_0(%arg0: i32) -> (i32, i32) {
    %c0_i32 = arith.constant 0 : i32
    %c0_i32_0 = arith.constant 0 : i32
    return %arg0, %c0_i32 : i32, i32
  }
  func.func @transform_1(%arg0: i32) -> (i32, i32) {
    %c0_i32 = arith.constant 0 : i32
    %c0_i32_0 = arith.constant 0 : i32
    return %arg0, %c0_i32 : i32, i32
  }
  func.func @transform_2(%arg0: i32) -> (i32, i32) {
    %c0_i32 = arith.constant 0 : i32
    %c0_i32_0 = arith.constant 0 : i32
    return %arg0, %c0_i32 : i32, i32
  }
  func.func @transform_3(%arg0: i32) -> (i32, i32) {
    %c0_i32 = arith.constant 0 : i32
    %c0_i32_0 = arith.constant 0 : i32
    return %c0_i32, %arg0 : i32, i32
  }
  func.func @transform_4(%arg0: i32) -> (i32, i32) {
    %c0_i32 = arith.constant 0 : i32
    %c0_i32_0 = arith.constant 0 : i32
    return %c0_i32, %arg0 : i32, i32
  }
  func.func @transform_5(%arg0: i32) -> (i32, i32) {
    %c0_i32 = arith.constant 0 : i32
    %c0_i32_0 = arith.constant 0 : i32
    return %c0_i32, %arg0 : i32, i32
  }
  func.func @transform_6(%arg0: i32) -> (i32, i32) {
    %c0_i32 = arith.constant 0 : i32
    %c0_i32_0 = arith.constant 0 : i32
    return %c0_i32, %arg0 : i32, i32
  }
  func.func @transform_7(%arg0: i32) -> (i32, i32) {
    %c0_i32 = arith.constant 0 : i32
    %c0_i32_0 = arith.constant 0 : i32
    return %c0_i32, %arg0 : i32, i32
  }
}

module attributes {stable_mosaic.version = 14 : i64} {
  func.func @_matmul_body(%arg0: i32, %arg1: i32, %arg2: memref<1024x2048xbf16, #tpu.memory_space<vmem>>, %arg3: memref<2048x1024xbf16, #tpu.memory_space<vmem>>, %arg4: memref<1024x1024xbf16, #tpu.memory_space<vmem>>) attributes {dimension_semantics = [#tpu.dimension_semantics<arbitrary>, #tpu.dimension_semantics<arbitrary>], iteration_bounds = array<i64: 2, 2>, scalar_prefetch = 0 : i64, scratch_operands = 0 : i64, tpu.core_type = #tpu.core_type<tc>, window_params = [{transform_indices = @transform_0, window_bounds = array<i64: 1024, 2048>}, {transform_indices = @transform_1, window_bounds = array<i64: 2048, 1024>}, {transform_indices = @transform_2, window_bounds = array<i64: 1024, 1024>}]} {
    %get3A = arith.constant 0 : index
    %get3A_0 = arith.constant 0 : index
    %get3A_1 = vector.load %arg2[%get3A, %get3A_0] : memref<1024x2048xbf16, #tpu.memory_space<vmem>>, vector<1024x2048xbf16>
    %get3A_2 = arith.constant 0 : index
    %get3A_3 = arith.constant 0 : index
    %get3A_4 = vector.load %arg3[%get3A_2, %get3A_3] : memref<2048x1024xbf16, #tpu.memory_space<vmem>>, vector<2048x1024xbf16>
    %dot_general3A = arith.constant dense<0.000000e+00> : vector<1024x1024xf32>
    %dot_general3A_5 = tpu.matmul %get3A_1, %get3A_4, %dot_general3A {dimension_numbers = #tpu.dot_dimension_numbers<[1], [0], [0], [1], [0, 0, 1, 1], [], []>, transpose_lhs_hint = false} : vector<1024x2048xbf16>, vector<2048x1024xbf16>, vector<1024x1024xf32> -> vector<1024x1024xf32>
    %convert_element_type3A = arith.truncf %dot_general3A_5 : vector<1024x1024xf32> to vector<1024x1024xbf16>
    %swap3A = arith.constant 0 : index
    %swap3A_6 = arith.constant 0 : index
    %swap3A_7 = vector.load %arg4[%swap3A, %swap3A_6] : memref<1024x1024xbf16, #tpu.memory_space<vmem>>, vector<1024x1024xbf16>
    tpu.vector_store %arg4[%swap3A, %swap3A_6], %convert_element_type3A {strides = array<i32>} : memref<1024x1024xbf16, #tpu.memory_space<vmem>>, vector<1024x1024xbf16>,
    return
  }
  func.func @transform_0(%arg0: i32, %arg1: i32) -> (i32, i32) {
    %c0_i32 = arith.constant 0 : i32
    %c0_i32_0 = arith.constant 0 : i32
    return %arg0, %c0_i32 : i32, i32
  }
  func.func @transform_1(%arg0: i32, %arg1: i32) -> (i32, i32) {
    %c0_i32 = arith.constant 0 : i32
    %c0_i32_0 = arith.constant 0 : i32
    return %c0_i32, %arg1 : i32, i32
  }
  func.func @transform_2(%arg0: i32, %arg1: i32) -> (i32, i32) {
    %c0_i32 = arith.constant 0 : i32
    return %arg0, %arg1 : i32, i32
  }
}

module attributes {stable_mosaic.version = 14 : i64} {
  func.func @_ln_body(%arg0: i32, %arg1: memref<1x2048x128xf32, #tpu.memory_space<vmem>>, %arg2: memref<2048x8xf32, #tpu.memory_space<vmem>>, %arg3: memref<8x128xf32, #tpu.memory_space<vmem>>, %arg4: memref<1x128xf32, #tpu.memory_space<vmem>>, %arg5: memref<1x128xf32, #tpu.memory_space<vmem>>, %arg6: memref<1x128xf32, #tpu.memory_space<vmem>>, %arg7: memref<1x2048x128xf32, #tpu.memory_space<vmem>>) attributes {dimension_semantics = [#tpu.dimension_semantics<arbitrary>], iteration_bounds = array<i64: 2>, scalar_prefetch = 0 : i64, scratch_operands = 0 : i64, tpu.core_type = #tpu.core_type<tc>, window_params = [{transform_indices = @transform_0, window_bounds = array<i64: 1, 2048, 128>}, {pipeline_mode = #tpu.pipeline_mode<synchronous>, transform_indices = @transform_1, window_bounds = array<i64: 2048, 8>}, {pipeline_mode = #tpu.pipeline_mode<synchronous>, transform_indices = @transform_2, window_bounds = array<i64: 8, 128>}, {pipeline_mode = #tpu.pipeline_mode<synchronous>, transform_indices = @transform_3, window_bounds = array<i64: 1, 128>}, {pipeline_mode = #tpu.pipeline_mode<synchronous>, transform_indices = @transform_4, window_bounds = array<i64: 1, 128>}, {pipeline_mode = #tpu.pipeline_mode<synchronous>, transform_indices = @transform_5, window_bounds = array<i64: 1, 128>}, {transform_indices = @transform_6, window_bounds = array<i64: 1, 2048, 128>}]} {
    %get3A = arith.constant 0 : index
    %get3A_0 = arith.constant 0 : index
    %get3A_1 = vector.load %arg2[%get3A, %get3A_0] : memref<2048x8xf32, #tpu.memory_space<vmem>>, vector<2048x8xf32>
    %get3A_2 = arith.constant 0 : index
    %get3A_3 = arith.constant 0 : index
    %get3A_4 = vector.load %arg3[%get3A_2, %get3A_3] : memref<8x128xf32, #tpu.memory_space<vmem>>, vector<8x128xf32>
    %dot_general3A = arith.constant dense<0.000000e+00> : vector<2048x128xf32>
    %dot_general3A_5 = tpu.matmul %get3A_1, %get3A_4, %dot_general3A {dimension_numbers = #tpu.dot_dimension_numbers<[1], [0], [0], [1], [0, 0, 1, 1], [], []>, transpose_lhs_hint = false} : vector<2048x8xf32>, vector<8x128xf32>, vector<2048x128xf32> -> vector<2048x128xf32>
    %get3A_6 = arith.constant 0 : index
    %get3A_7 = arith.constant 0 : index
    %get3A_8 = vector.load %arg4[%get3A_6, %get3A_7] : memref<1x128xf32, #tpu.memory_space<vmem>>, vector<1x128xf32>
    %add3A = vector.broadcast %get3A_8 : vector<1x128xf32> to vector<2048x128xf32>
    %add3A_9 = arith.addf %dot_general3A_5, %add3A : vector<2048x128xf32>
    %get3A_10 = arith.constant 0 : index
    %get3A_11 = arith.constant 0 : index
    %get3A_12 = arith.constant 0 : index
    %get3A_13 = vector.load %arg1[%get3A_10, %get3A_11, %get3A_12] : memref<1x2048x128xf32, #tpu.memory_space<vmem>>, vector<1x2048x128xf32>
    %get3A_14 = vector.shape_cast %get3A_13 : vector<1x2048x128xf32> to vector<2048x128xf32>
    %add3A_15 = arith.addf %get3A_14, %add3A_9 : vector<2048x128xf32>
    %reduce_sum3A = arith.constant dense<0.000000e+00> : vector<2048xf32>
    %reduce_sum3A_16 = vector.multi_reduction <add>, %add3A_15, %reduce_sum3A [1] : vector<2048x128xf32> to vector<2048xf32>
    %broadcast_in_dim3A = vector.shape_cast %reduce_sum3A_16 : vector<2048xf32> to vector<2048x1xf32>
    %div3A = arith.constant 1.280000e+02 : f32
    %div3A_17 = vector.broadcast %div3A : f32 to vector<2048x1xf32>
    %div3A_18 = arith.divf %broadcast_in_dim3A, %div3A_17 : vector<2048x1xf32>
    %sub3A = vector.broadcast %div3A_18 : vector<2048x1xf32> to vector<2048x128xf32>
    %sub3A_19 = arith.subf %add3A_15, %sub3A : vector<2048x128xf32>
    %integer_pow3A = arith.mulf %sub3A_19, %sub3A_19 : vector<2048x128xf32>
    %reduce_sum3A_20 = arith.constant dense<0.000000e+00> : vector<2048xf32>
    %reduce_sum3A_21 = vector.multi_reduction <add>, %integer_pow3A, %reduce_sum3A_20 [1] : vector<2048x128xf32> to vector<2048xf32>
    %broadcast_in_dim3A_22 = vector.shape_cast %reduce_sum3A_21 : vector<2048xf32> to vector<2048x1xf32>
    %div3A_23 = arith.constant 1.280000e+02 : f32
    %div3A_24 = vector.broadcast %div3A_23 : f32 to vector<2048x1xf32>
    %div3A_25 = arith.divf %broadcast_in_dim3A_22, %div3A_24 : vector<2048x1xf32>
    %sub3A_26 = vector.broadcast %div3A_18 : vector<2048x1xf32> to vector<2048x128xf32>
    %sub3A_27 = arith.subf %add3A_15, %sub3A_26 : vector<2048x128xf32>
    %add3A_28 = arith.constant 9.99999974E-6 : f32
    %add3A_29 = vector.broadcast %add3A_28 : f32 to vector<2048x1xf32>
    %add3A_30 = arith.addf %div3A_25, %add3A_29 : vector<2048x1xf32>
    %sqrt3A = math.sqrt %add3A_30 : vector<2048x1xf32>
    %div3A_31 = vector.broadcast %sqrt3A : vector<2048x1xf32> to vector<2048x128xf32>
    %div3A_32 = arith.divf %sub3A_27, %div3A_31 : vector<2048x128xf32>
    %get3A_33 = arith.constant 0 : index
    %get3A_34 = arith.constant 0 : index
    %get3A_35 = vector.load %arg5[%get3A_33, %get3A_34] : memref<1x128xf32, #tpu.memory_space<vmem>>, vector<1x128xf32>
    %mul3A = vector.broadcast %get3A_35 : vector<1x128xf32> to vector<2048x128xf32>
    %mul3A_36 = arith.mulf %div3A_32, %mul3A : vector<2048x128xf32>
    %get3A_37 = arith.constant 0 : index
    %get3A_38 = arith.constant 0 : index
    %get3A_39 = vector.load %arg6[%get3A_37, %get3A_38] : memref<1x128xf32, #tpu.memory_space<vmem>>, vector<1x128xf32>
    %add3A_40 = vector.broadcast %get3A_39 : vector<1x128xf32> to vector<2048x128xf32>
    %add3A_41 = arith.addf %mul3A_36, %add3A_40 : vector<2048x128xf32>
    %swap3A = arith.constant 0 : index
    %swap3A_42 = arith.constant 0 : index
    %swap3A_43 = arith.constant 0 : index
    %swap3A_44 = vector.load %arg7[%swap3A, %swap3A_42, %swap3A_43] : memref<1x2048x128xf32, #tpu.memory_space<vmem>>, vector<1x2048x128xf32>
    %swap3A_45 = vector.shape_cast %swap3A_44 : vector<1x2048x128xf32> to vector<2048x128xf32>
    %swap3A_46 = vector.shape_cast %add3A_41 : vector<2048x128xf32> to vector<1x2048x128xf32>
    tpu.vector_store %arg7[%swap3A, %swap3A_42, %swap3A_43], %swap3A_46 {strides = array<i32>} : memref<1x2048x128xf32, #tpu.memory_space<vmem>>, vector<1x2048x128xf32>,
    return
  }
  func.func @transform_0(%arg0: i32) -> (i32, i32, i32) {
    %c0_i32 = arith.constant 0 : i32
    %c0_i32_0 = arith.constant 0 : i32
    %c0_i32_1 = arith.constant 0 : i32
    return %arg0, %c0_i32, %c0_i32_0 : i32, i32, i32
  }
  func.func @transform_1(%arg0: i32) -> (i32, i32) {
    %c0_i32 = arith.constant 0 : i32
    %c0_i32_0 = arith.constant 0 : i32
    %c0_i32_1 = arith.constant 0 : i32
    return %c0_i32, %c0_i32_0 : i32, i32
  }
  func.func @transform_2(%arg0: i32) -> (i32, i32) {
    %c0_i32 = arith.constant 0 : i32
    %c0_i32_0 = arith.constant 0 : i32
    %c0_i32_1 = arith.constant 0 : i32
    return %c0_i32, %c0_i32_0 : i32, i32
  }
  func.func @transform_3(%arg0: i32) -> (i32, i32) {
    %c0_i32 = arith.constant 0 : i32
    %c0_i32_0 = arith.constant 0 : i32
    %c0_i32_1 = arith.constant 0 : i32
    return %c0_i32, %c0_i32_0 : i32, i32
  }
  func.func @transform_4(%arg0: i32) -> (i32, i32) {
    %c0_i32 = arith.constant 0 : i32
    %c0_i32_0 = arith.constant 0 : i32
    %c0_i32_1 = arith.constant 0 : i32
    return %c0_i32, %c0_i32_0 : i32, i32
  }
  func.func @transform_5(%arg0: i32) -> (i32, i32) {
    %c0_i32 = arith.constant 0 : i32
    %c0_i32_0 = arith.constant 0 : i32
    %c0_i32_1 = arith.constant 0 : i32
    return %c0_i32, %c0_i32_0 : i32, i32
  }
  func.func @transform_6(%arg0: i32) -> (i32, i32, i32) {
    %c0_i32 = arith.constant 0 : i32
    %c0_i32_0 = arith.constant 0 : i32
    %c0_i32_1 = arith.constant 0 : i32
    return %arg0, %c0_i32, %c0_i32_0 : i32, i32, i32
  }
}

module attributes {stable_mosaic.version = 14 : i64} {
  func.func @_minmax_body(%arg0: i32, %arg1: i32, %arg2: i32, %arg3: memref<1x512x128xf32, #tpu.memory_space<vmem>>, %arg4: memref<1x512x128xf32, #tpu.memory_space<vmem>>, %arg5: memref<2xf32, #tpu.memory_space<smem>>, %arg6: memref<2xf32, #tpu.memory_space<smem>>, %arg7: memref<2xf32, #tpu.memory_space<smem>>) attributes {dimension_semantics = [#tpu.dimension_semantics<arbitrary>, #tpu.dimension_semantics<arbitrary>, #tpu.dimension_semantics<arbitrary>], iteration_bounds = array<i64: 2, 4, 4>, scalar_prefetch = 0 : i64, scratch_operands = 1 : i64, tpu.core_type = #tpu.core_type<tc>, window_params = [{transform_indices = @transform_0, window_bounds = array<i64: 1, 512, 128>}, {transform_indices = @transform_1, window_bounds = array<i64: 1, 512, 128>}, {transform_indices = @transform_2, window_bounds = array<i64: 2>}, {transform_indices = @transform_3, window_bounds = array<i64: 2>}]} {
    %get3A = arith.constant 0 : index
    %get3A_0 = arith.constant 0 : index
    %get3A_1 = arith.constant 0 : index
    %get3A_2 = vector.load %arg3[%get3A, %get3A_0, %get3A_1] : memref<1x512x128xf32, #tpu.memory_space<vmem>>, vector<1x512x128xf32>
    %get3A_3 = vector.shape_cast %get3A_2 : vector<1x512x128xf32> to vector<512x128xf32>
    %get3A_4 = arith.constant 0 : index
    %get3A_5 = arith.constant 0 : index
    %get3A_6 = arith.constant 0 : index
    %get3A_7 = vector.load %arg4[%get3A_4, %get3A_5, %get3A_6] : memref<1x512x128xf32, #tpu.memory_space<vmem>>, vector<1x512x128xf32>
    %get3A_8 = vector.shape_cast %get3A_7 : vector<1x512x128xf32> to vector<512x128xf32>
    %convert_element_type3A = arith.truncf %get3A_3 : vector<512x128xf32> to vector<512x128xbf16>
    %convert_element_type3A_9 = arith.truncf %get3A_8 : vector<512x128xf32> to vector<512x128xbf16>
    %dot_general3A = arith.constant dense<0.000000e+00> : vector<512x512xf32>
    %dot_general3A_10 = tpu.matmul %convert_element_type3A, %convert_element_type3A_9, %dot_general3A {dimension_numbers = #tpu.dot_dimension_numbers<[1], [1], [0], [0], [0, 0, 1, 0], [], []>, transpose_lhs_hint = false} : vector<512x128xbf16>, vector<512x128xbf16>, vector<512x512xf32> -> vector<512x512xf32>
    %mul3A = arith.mulf %get3A_3, %get3A_3 : vector<512x128xf32>
    %reduce_sum3A = arith.constant dense<0.000000e+00> : vector<512xf32>
    %reduce_sum3A_11 = vector.multi_reduction <add>, %mul3A, %reduce_sum3A [1] : vector<512x128xf32> to vector<512xf32>
    %mul3A_12 = arith.mulf %get3A_8, %get3A_8 : vector<512x128xf32>
    %reduce_sum3A_13 = arith.constant dense<0.000000e+00> : vector<512xf32>
    %reduce_sum3A_14 = vector.multi_reduction <add>, %mul3A_12, %reduce_sum3A_13 [1] : vector<512x128xf32> to vector<512xf32>
    %broadcast_in_dim3A = vector.shape_cast %reduce_sum3A_11 : vector<512xf32> to vector<512x1xf32>
    %broadcast_in_dim3A_15 = vector.shape_cast %reduce_sum3A_14 : vector<512xf32> to vector<1x512xf32>
    %add3A = vector.broadcast %broadcast_in_dim3A : vector<512x1xf32> to vector<512x512xf32>
    %add3A_16 = vector.broadcast %broadcast_in_dim3A_15 : vector<1x512xf32> to vector<512x512xf32>
    %add3A_17 = arith.addf %add3A, %add3A_16 : vector<512x512xf32>
    %mul3A_18 = arith.constant 2.000000e+00 : f32
    %mul3A_19 = vector.broadcast %mul3A_18 : f32 to vector<512x512xf32>
    %mul3A_20 = arith.mulf %mul3A_19, %dot_general3A_10 : vector<512x512xf32>
    %sub3A = arith.subf %add3A_17, %mul3A_20 : vector<512x512xf32>
    %iota3A = tpu.iota {dimensions = array<i32: 0>} : vector<512x512xi32>
    %iota3A_21 = tpu.iota {dimensions = array<i32: 1>} : vector<512x512xi32>
    %eq3A = arith.cmpi eq, %iota3A, %iota3A_21 : vector<512x512xi32>
    %eq3A_22 = arith.cmpi eq, %arg1, %arg2 : i32
    %and3A = vector.broadcast %eq3A_22 : i1 to vector<512x512xi1>
    %and3A_23 = arith.andi %eq3A, %and3A : vector<512x512xi1>
    %jit3A = arith.constant 3.000000e+38 : f32
    %broadcast_in_dim3A_24 = vector.broadcast %jit3A : f32 to vector<512x512xf32>
    %select_n3A = arith.select %and3A_23, %broadcast_in_dim3A_24, %sub3A : vector<512x512xi1>, vector<512x512xf32>
    %reduce_min3A = vector.shape_cast %select_n3A : vector<512x512xf32> to vector<1x512x512xf32>
    %reduce_min3A_25 = arith.constant dense<0x7F800000> : vector<1xf32>
    %reduce_min3A_26 = vector.multi_reduction <minimumf>, %reduce_min3A, %reduce_min3A_25 [1, 2] : vector<1x512x512xf32> to vector<1xf32>
    %reduce_min3A_27 = vector.shape_cast %reduce_min3A_26 : vector<1xf32> to vector<1x1x1xf32>
    %reduce_min3A_28 = vector.extract %reduce_min3A_27[0, 0, 0] : f32 from vector<1x1x1xf32>
    %neg3A = arith.constant 0.000000e+00 : f32
    %neg3A_29 = arith.constant 3.000000e+38 : f32
    %neg3A_30 = arith.subf %neg3A, %neg3A_29 : f32
    %broadcast_in_dim3A_31 = vector.broadcast %neg3A_30 : f32 to vector<512x512xf32>
    %select_n3A_32 = arith.select %and3A_23, %broadcast_in_dim3A_31, %sub3A : vector<512x512xi1>, vector<512x512xf32>
    %reduce_max3A = vector.shape_cast %select_n3A_32 : vector<512x512xf32> to vector<1x512x512xf32>
    %reduce_max3A_33 = arith.constant dense<0xFF800000> : vector<1xf32>
    %reduce_max3A_34 = vector.multi_reduction <maximumf>, %reduce_max3A, %reduce_max3A_33 [1, 2] : vector<1x512x512xf32> to vector<1xf32>
    %reduce_max3A_35 = vector.shape_cast %reduce_max3A_34 : vector<1xf32> to vector<1x1x1xf32>
    %reduce_max3A_36 = vector.extract %reduce_max3A_35[0, 0, 0] : f32 from vector<1x1x1xf32>
    %eq3A_37 = arith.constant 0 : i32
    %eq3A_38 = arith.cmpi eq, %arg1, %eq3A_37 : i32
    %eq3A_39 = arith.constant 0 : i32
    %eq3A_40 = arith.cmpi eq, %arg2, %eq3A_39 : i32
    %and3A_41 = arith.andi %eq3A_38, %eq3A_40 : i1
    %convert_element_type3A_42 = arith.extui %and3A_41 : i1 to i32
    %cond3A = arith.constant 0 : i32
    %cond3A_43 = arith.cmpi ne, %convert_element_type3A_42, %cond3A : i32
    scf.if %cond3A_43 {
      %swap3A_59 = arith.constant 0 : index
      %swap3A_60 = memref.load %arg7[%swap3A_59] : memref<2xf32, #tpu.memory_space<smem>>
      memref.store %reduce_min3A_28, %arg7[%swap3A_59] : memref<2xf32, #tpu.memory_space<smem>>
      %swap3A_61 = arith.constant 1 : index
      %swap3A_62 = memref.load %arg7[%swap3A_61] : memref<2xf32, #tpu.memory_space<smem>>
      memref.store %reduce_max3A_36, %arg7[%swap3A_61] : memref<2xf32, #tpu.memory_space<smem>>
    } else {
    }
    %not3A = arith.constant true
    %not3A_44 = arith.xori %and3A_41, %not3A : i1
    %convert_element_type3A_45 = arith.extui %not3A_44 : i1 to i32
    %cond3A_46 = arith.constant 0 : i32
    %cond3A_47 = arith.cmpi ne, %convert_element_type3A_45, %cond3A_46 : i32
    scf.if %cond3A_47 {
      %get3A_59 = arith.constant 0 : index
      %get3A_60 = memref.load %arg7[%get3A_59] : memref<2xf32, #tpu.memory_space<smem>>
      %min3A = arith.minimumf %get3A_60, %reduce_min3A_28 : f32
      %swap3A_61 = arith.constant 0 : index
      %swap3A_62 = memref.load %arg7[%swap3A_61] : memref<2xf32, #tpu.memory_space<smem>>
      memref.store %min3A, %arg7[%swap3A_61] : memref<2xf32, #tpu.memory_space<smem>>
      %get3A_63 = arith.constant 1 : index
      %get3A_64 = memref.load %arg7[%get3A_63] : memref<2xf32, #tpu.memory_space<smem>>
      %max3A_65 = arith.maximumf %get3A_64, %reduce_max3A_36 : f32
      %swap3A_66 = arith.constant 1 : index
      %swap3A_67 = memref.load %arg7[%swap3A_66] : memref<2xf32, #tpu.memory_space<smem>>
      memref.store %max3A_65, %arg7[%swap3A_66] : memref<2xf32, #tpu.memory_space<smem>>
    } else {
    }
    %get3A_48 = arith.constant 0 : index
    %get3A_49 = memref.load %arg7[%get3A_48] : memref<2xf32, #tpu.memory_space<smem>>
    %jit3A_50 = arith.constant 9.99999996E-13 : f32
    %max3A = arith.maximumf %jit3A_50, %get3A_49 : f32
    %sqrt3A = math.sqrt %max3A : f32
    %swap3A = arith.index_cast %arg0 : i32 to index
    %swap3A_51 = memref.load %arg5[%swap3A] : memref<2xf32, #tpu.memory_space<smem>>
    memref.store %sqrt3A, %arg5[%swap3A] : memref<2xf32, #tpu.memory_space<smem>>
    %get3A_52 = arith.constant 1 : index
    %get3A_53 = memref.load %arg7[%get3A_52] : memref<2xf32, #tpu.memory_space<smem>>
    %jit3A_54 = arith.constant 9.99999996E-13 : f32
    %max3A_55 = arith.maximumf %jit3A_54, %get3A_53 : f32
    %sqrt3A_56 = math.sqrt %max3A_55 : f32
    %swap3A_57 = arith.index_cast %arg0 : i32 to index
    %swap3A_58 = memref.load %arg6[%swap3A_57] : memref<2xf32, #tpu.memory_space<smem>>
    memref.store %sqrt3A_56, %arg6[%swap3A_57] : memref<2xf32, #tpu.memory_space<smem>>
    return
  }
  func.func @transform_0(%arg0: i32, %arg1: i32, %arg2: i32) -> (i32, i32, i32) {
    %c0_i32 = arith.constant 0 : i32
    %c0_i32_0 = arith.constant 0 : i32
    return %arg0, %arg1, %c0_i32 : i32, i32, i32
  }
  func.func @transform_1(%arg0: i32, %arg1: i32, %arg2: i32) -> (i32, i32, i32) {
    %c0_i32 = arith.constant 0 : i32
    %c0_i32_0 = arith.constant 0 : i32
    return %arg0, %arg2, %c0_i32 : i32, i32, i32
  }
  func.func @transform_2(%arg0: i32, %arg1: i32, %arg2: i32) -> i32 {
    %c0_i32 = arith.constant 0 : i32
    %c0_i32_0 = arith.constant 0 : i32
    return %c0_i32 : i32
  }
  func.func @transform_3(%arg0: i32, %arg1: i32, %arg2: i32) -> i32 {
    %c0_i32 = arith.constant 0 : i32
    %c0_i32_0 = arith.constant 0 : i32
    return %c0_i32 : i32
  }
}

module attributes {stable_mosaic.version = 14 : i64} {
  func.func @_scale_body(%arg0: i32, %arg1: i32, %arg2: i32, %arg3: memref<1x512x128xf32, #tpu.memory_space<vmem>>, %arg4: memref<1x512x128xf32, #tpu.memory_space<vmem>>, %arg5: memref<2xf32, #tpu.memory_space<smem>>, %arg6: memref<2xf32, #tpu.memory_space<smem>>, %arg7: memref<1x512x512xf32, #tpu.memory_space<vmem>>) attributes {dimension_semantics = [#tpu.dimension_semantics<arbitrary>, #tpu.dimension_semantics<arbitrary>, #tpu.dimension_semantics<arbitrary>], iteration_bounds = array<i64: 2, 4, 4>, scalar_prefetch = 0 : i64, scratch_operands = 0 : i64, tpu.core_type = #tpu.core_type<tc>, window_params = [{transform_indices = @transform_0, window_bounds = array<i64: 1, 512, 128>}, {transform_indices = @transform_1, window_bounds = array<i64: 1, 512, 128>}, {transform_indices = @transform_2, window_bounds = array<i64: 2>}, {transform_indices = @transform_3, window_bounds = array<i64: 2>}, {transform_indices = @transform_4, window_bounds = array<i64: 1, 512, 512>}]} {
    %get3A = arith.constant 0 : index
    %get3A_0 = arith.constant 0 : index
    %get3A_1 = arith.constant 0 : index
    %get3A_2 = vector.load %arg3[%get3A, %get3A_0, %get3A_1] : memref<1x512x128xf32, #tpu.memory_space<vmem>>, vector<1x512x128xf32>
    %get3A_3 = vector.shape_cast %get3A_2 : vector<1x512x128xf32> to vector<512x128xf32>
    %get3A_4 = arith.constant 0 : index
    %get3A_5 = arith.constant 0 : index
    %get3A_6 = arith.constant 0 : index
    %get3A_7 = vector.load %arg4[%get3A_4, %get3A_5, %get3A_6] : memref<1x512x128xf32, #tpu.memory_space<vmem>>, vector<1x512x128xf32>
    %get3A_8 = vector.shape_cast %get3A_7 : vector<1x512x128xf32> to vector<512x128xf32>
    %convert_element_type3A = arith.truncf %get3A_3 : vector<512x128xf32> to vector<512x128xbf16>
    %convert_element_type3A_9 = arith.truncf %get3A_8 : vector<512x128xf32> to vector<512x128xbf16>
    %dot_general3A = arith.constant dense<0.000000e+00> : vector<512x512xf32>
    %dot_general3A_10 = tpu.matmul %convert_element_type3A, %convert_element_type3A_9, %dot_general3A {dimension_numbers = #tpu.dot_dimension_numbers<[1], [1], [0], [0], [0, 0, 1, 0], [], []>, transpose_lhs_hint = false} : vector<512x128xbf16>, vector<512x128xbf16>, vector<512x512xf32> -> vector<512x512xf32>
    %mul3A = arith.mulf %get3A_3, %get3A_3 : vector<512x128xf32>
    %reduce_sum3A = arith.constant dense<0.000000e+00> : vector<512xf32>
    %reduce_sum3A_11 = vector.multi_reduction <add>, %mul3A, %reduce_sum3A [1] : vector<512x128xf32> to vector<512xf32>
    %mul3A_12 = arith.mulf %get3A_8, %get3A_8 : vector<512x128xf32>
    %reduce_sum3A_13 = arith.constant dense<0.000000e+00> : vector<512xf32>
    %reduce_sum3A_14 = vector.multi_reduction <add>, %mul3A_12, %reduce_sum3A_13 [1] : vector<512x128xf32> to vector<512xf32>
    %broadcast_in_dim3A = vector.shape_cast %reduce_sum3A_11 : vector<512xf32> to vector<512x1xf32>
    %broadcast_in_dim3A_15 = vector.shape_cast %reduce_sum3A_14 : vector<512xf32> to vector<1x512xf32>
    %add3A = vector.broadcast %broadcast_in_dim3A : vector<512x1xf32> to vector<512x512xf32>
    %add3A_16 = vector.broadcast %broadcast_in_dim3A_15 : vector<1x512xf32> to vector<512x512xf32>
    %add3A_17 = arith.addf %add3A, %add3A_16 : vector<512x512xf32>
    %mul3A_18 = arith.constant 2.000000e+00 : f32
    %mul3A_19 = vector.broadcast %mul3A_18 : f32 to vector<512x512xf32>
    %mul3A_20 = arith.mulf %mul3A_19, %dot_general3A_10 : vector<512x512xf32>
    %sub3A = arith.subf %add3A_17, %mul3A_20 : vector<512x512xf32>
    %iota3A = tpu.iota {dimensions = array<i32: 0>} : vector<512x512xi32>
    %iota3A_21 = tpu.iota {dimensions = array<i32: 1>} : vector<512x512xi32>
    %eq3A = arith.cmpi eq, %iota3A, %iota3A_21 : vector<512x512xi32>
    %eq3A_22 = arith.cmpi eq, %arg1, %arg2 : i32
    %and3A = vector.broadcast %eq3A_22 : i1 to vector<512x512xi1>
    %and3A_23 = arith.andi %eq3A, %and3A : vector<512x512xi1>
    %jit3A = arith.constant 0.000000e+00 : f32
    %broadcast_in_dim3A_24 = vector.broadcast %jit3A : f32 to vector<512x512xf32>
    %select_n3A = arith.select %and3A_23, %broadcast_in_dim3A_24, %sub3A : vector<512x512xi1>, vector<512x512xf32>
    %jit3A_25 = arith.constant 9.99999996E-13 : f32
    %max3A = vector.broadcast %jit3A_25 : f32 to vector<512x512xf32>
    %max3A_26 = arith.maximumf %max3A, %select_n3A : vector<512x512xf32>
    %sqrt3A = math.sqrt %max3A_26 : vector<512x512xf32>
    %get3A_27 = arith.index_cast %arg0 : i32 to index
    %get3A_28 = memref.load %arg5[%get3A_27] : memref<2xf32, #tpu.memory_space<smem>>
    %get3A_29 = arith.index_cast %arg0 : i32 to index
    %get3A_30 = memref.load %arg6[%get3A_29] : memref<2xf32, #tpu.memory_space<smem>>
    %sub3A_31 = vector.broadcast %get3A_28 : f32 to vector<512x512xf32>
    %sub3A_32 = arith.subf %sqrt3A, %sub3A_31 : vector<512x512xf32>
    %sub3A_33 = arith.subf %get3A_30, %get3A_28 : f32
    %add3A_34 = arith.constant 9.99999993E-9 : f32
    %add3A_35 = arith.addf %sub3A_33, %add3A_34 : f32
    %div3A = vector.broadcast %add3A_35 : f32 to vector<512x512xf32>
    %div3A_36 = arith.divf %sub3A_32, %div3A : vector<512x512xf32>
    %swap3A = arith.constant 0 : index
    %swap3A_37 = arith.constant 0 : index
    %swap3A_38 = arith.constant 0 : index
    %swap3A_39 = vector.load %arg7[%swap3A, %swap3A_37, %swap3A_38] : memref<1x512x512xf32, #tpu.memory_space<vmem>>, vector<1x512x512xf32>
    %swap3A_40 = vector.shape_cast %swap3A_39 : vector<1x512x512xf32> to vector<512x512xf32>
    %swap3A_41 = vector.shape_cast %div3A_36 : vector<512x512xf32> to vector<1x512x512xf32>
    tpu.vector_store %arg7[%swap3A, %swap3A_37, %swap3A_38], %swap3A_41 {strides = array<i32>} : memref<1x512x512xf32, #tpu.memory_space<vmem>>, vector<1x512x512xf32>,
    return
  }
  func.func @transform_0(%arg0: i32, %arg1: i32, %arg2: i32) -> (i32, i32, i32) {
    %c0_i32 = arith.constant 0 : i32
    %c0_i32_0 = arith.constant 0 : i32
    return %arg0, %arg1, %c0_i32 : i32, i32, i32
  }
  func.func @transform_1(%arg0: i32, %arg1: i32, %arg2: i32) -> (i32, i32, i32) {
    %c0_i32 = arith.constant 0 : i32
    %c0_i32_0 = arith.constant 0 : i32
    return %arg0, %arg2, %c0_i32 : i32, i32, i32
  }
  func.func @transform_2(%arg0: i32, %arg1: i32, %arg2: i32) -> i32 {
    %c0_i32 = arith.constant 0 : i32
    %c0_i32_0 = arith.constant 0 : i32
    return %c0_i32 : i32
  }
  func.func @transform_3(%arg0: i32, %arg1: i32, %arg2: i32) -> i32 {
    %c0_i32 = arith.constant 0 : i32
    %c0_i32_0 = arith.constant 0 : i32
    return %c0_i32 : i32
  }
  func.func @transform_4(%arg0: i32, %arg1: i32, %arg2: i32) -> (i32, i32, i32) {
    %c0_i32 = arith.constant 0 : i32
    return %arg0, %arg1, %arg2 : i32, i32, i32
  }
}

</mosaic_0001>

<sc_bundles>
// kernel: kernel.11.cloned.1.call-start
scs
__scs_entry_jumppad:
0x0: {  	(pc) =	sbr.rel $0x88, $3  }
0x1: {  	(tag) =	ssettag $0x0;
	lr =	simm.s32 $0x1  }
0x2: {  	[smem:$0x3F9A] =	sst lr;
	_ =	strace $0xD0000000  }
0x3: {  	_ = 	snop  }
0x4: {  	_ = 	snop  }
0x5: {  	_ = 	snop  }
0x6: {  	_ = 	snop  }
0x7: {  	_ = 	snop  }
__scs_overlays_trampoline_lowered:
0x8: {  	[smem:$0x3FA9] =	sst s0  }
0x9: {  	[smem:$0x3FAA] =	sst s1  }
0xa: {  	[smem:$0x3FAB] =	sst s2  }
0xb: {  	[smem:$0x3FAC] =	sst s3  }
0xc: {  	[smem:$0x3FAD] =	sst s4  }
0xd: {  	[smem:$0x3FAE] =	sst s5  }
0xe: {  	[smem:$0x3FAF] =	sst s6  }
0xf: {  	[smem:$0x3FB0] =	sst s7  }
0x10: {  	[smem:$0x3FB1] =	sst s8  }
0x11: {  	[smem:$0x3FB2] =	sst s9;
	s0 =	simm.s32 @!p0 $0x0  }
0x12: {  	s1 =	sld [smem:$0x3F98];
	s0 =	simm.s32 @p0 $0x1  }
0x13: {  	[smem:$0x3FB3] =	sst s0;
	s0 =	simm.s32 @!p1 $0x0  }
0x14: {  	s2 =	sld [smem:$0x3F97];
	s0 =	simm.s32 @p1 $0x1  }
0x15: {  	[smem:$0x3FB4] =	sst s0;
	s0 =	simm.s32 @!p2 $0x0  }
0x16: {  	s3 =	sld [smem:$0x3FDB];
	s0 =	simm.s32 @p2 $0x1  }
0x17: {  	s4 =	simm.s32 $0x1BF5;
	[smem:$0x3FB6] =	sst s0  }
0x18: {  	s0 =	sld [smem:$0x3F99];
	_ =	swait.ge [sflag:s4], $0x0  }
0x19: {  	s7 =	sld [smem:$0x3F9A]  }
0x1a: {  	s8 =	sadd.s32 $0xFFFFE003, lr  }
0x1b: {  	s9 =	sadd.s32 $0xFFFFFEF7, lr;
	s5 =	simm.s32 $0xFFFFFFFF;
	p2 =	slt.u32 s8, $0xFFFFF086  }
0x1c: {  	p1 =	slt.u32 s9, $0xF7A;
	s5 =	simm.s32 @!p2 $0x0  }
0x1d: {  	s5 =	simm.s32 @p1 $0x1;
	p0 =	seq.s32 s7, s2  }
0x1e: {  	s7 =	smul.u32 @!p0 $0xF7A, s2;
	p2 =	seq.s32 @!p0 s5, $0x0  }
0x1f: {  	s9 =	smul.u32 $0xF7A, s1;
	s8 =	simm.s32 @!p0 $0x1BF5;
	p2 =	por !p2, p0  }
0x20: {  	[sflag:s8] =	ssyncset.s32 @!p0 $0xFFFFF086;
	s6 =	sadd.s32 @!p0 s3, s7;
	s7 =	simm.s32 @!p0 $0x108  }
0x21: {  	s3 =	sadd.s32 s3, s9;
	s6 =	sadd.s32 @!p0 $0x88, s6;
	s7 =	simm.s32 @p2 $0x1082  }
0x22: {  	[simem:s7], [sflag:s8] =	dma.local @!p0 [hbm:s6], $0xF7A  }
0x23: {  	s9 =	sor.u32 $0xD0000000, s2;
	s6 =	simm.s32 $0x108;
	_ =	swait.ge @!p0 [sflag:s8], $0x0  }
0x24: {  	s3 =	sadd.s32 $0x88, s3;
	s6 =	simm.s32 @!p1 $0x1082;
	[sflag:s4] =	ssyncset.s32 $0xFFFFF086  }
0x25: {  	[simem:s6], [sflag:s4] =	dma.local [hbm:s3], $0xF7A  }
0x26: {  	[smem:$0x3F9A] =	sst s1;
	(tag) =	ssettag s2;
	_ =	strace s9  }
0x27: {  	s1 =	sld [smem:$0x3FAA]  }
0x28: {  	s2 =	sld [smem:$0x3FAB]  }
0x29: {  	s4 =	sld [smem:$0x3FAD]  }
0x2a: {  	p0 =	seq.s32 s5, $0x0;
	s5 =	sld [smem:$0x3FAE]  }
0x2b: {  	s6 =	sld [smem:$0x3FAF]  }
0x2c: {  	s7 =	sld [smem:$0x3FB0]  }
0x2d: {  	s3 =	simm.s32 $0x108;
	s8 =	sld [smem:$0x3FB1]  }
0x2e: {  	s3 =	simm.s32 @!p0 $0x1082;
	s9 =	sld [smem:$0x3FB2]  }
0x2f: {  	lr =	sadd.s32 s0, s3;
	s0 =	sld [smem:$0x3FA9]  }
0x30: {  	s3 =	sld [smem:$0x3FAC]  }
0x31: {  	[smem:$0x3FB5] =	sst s10  }
0x32: {  	s10 =	sld [smem:$0x3FB3];
	_ =	sdelay $0x3  }
0x33: {  	p0 =	seq.s32 s10, $0x1;
	s10 =	sld [smem:$0x3FB5];
	_ =	sdelay $0x3  }
0x34: {  	[smem:$0x3FB5] =	sst s10  }
0x35: {  	s10 =	sld [smem:$0x3FB4];
	_ =	sdelay $0x3  }
0x36: {  	p1 =	seq.s32 s10, $0x1;
	s10 =	sld [smem:$0x3FB5];
	_ =	sdelay $0x3  }
0x37: {  	[smem:$0x3FB5] =	sst s10  }
0x38: {  	s10 =	sld [smem:$0x3FB6]  }
0x39: {  	_ = 	snop;
	(pc) =	sbr.ind lr, $3  }
0x3a: {  	_ = 	snop  }
0x3b: {  	_ = 	snop  }
0x3c: {  	p2 =	seq.s32 s10, $0x1;
	s10 =	sld [smem:$0x3FB5]  }
0x3d: {  	_ =	shalt  }
0x3e: {  	_ =	shalt  }
0x3f: {  	_ =	shalt  }
0x40: {  	_ =	shalt  }
0x41: {  	_ =	shalt  }
0x42: {  	_ =	shalt  }
0x43: {  	_ =	shalt  }
0x44: {  	_ =	shalt  }
0x45: {  	_ =	shalt  }
0x46: {  	_ =	shalt  }
0x47: {  	_ =	shalt  }
0x48: {  	_ =	shalt  }
0x49: {  	_ =	shalt  }
0x4a: {  	_ =	shalt  }
0x4b: {  	_ =	shalt  }
0x4c: {  	_ =	shalt  }
0x4d: {  	_ =	shalt  }
0x4e: {  	_ =	shalt  }
0x4f: {  	_ =	shalt  }
0x50: {  	_ =	shalt  }
0x51: {  	_ =	shalt  }
0x52: {  	_ =	shalt  }
0x53: {  	_ =	shalt  }
0x54: {  	_ =	shalt  }
0x55: {  	_ =	shalt  }
0x56: {  	_ =	shalt  }
0x57: {  	_ =	shalt  }
0x58: {  	_ =	shalt  }
0x59: {  	_ =	shalt  }
0x5a: {  	_ =	shalt  }
0x5b: {  	_ =	shalt  }
0x5c: {  	_ =	shalt  }
0x5d: {  	_ =	shalt  }
0x5e: {  	_ =	shalt  }
0x5f: {  	_ =	shalt  }
0x60: {  	_ =	shalt  }
0x61: {  	_ =	shalt  }
0x62: {  	_ =	shalt  }
0x63: {  	_ =	shalt  }
0x64: {  	_ =	shalt  }
0x65: {  	_ =	shalt  }
0x66: {  	_ =	shalt  }
0x67: {  	_ =	shalt  }
0x68: {  	_ =	shalt  }
0x69: {  	_ =	shalt  }
0x6a: {  	_ =	shalt  }
0x6b: {  	_ =	shalt  }
0x6c: {  	_ =	shalt  }
0x6d: {  	_ =	shalt  }
0x6e: {  	_ =	shalt  }
0x6f: {  	_ =	shalt  }
0x70: {  	_ =	shalt  }
0x71: {  	_ =	shalt  }
0x72: {  	_ =	shalt  }
0x73: {  	_ =	shalt  }
0x74: {  	_ =	shalt  }
0x75: {  	_ =	shalt  }
0x76: {  	_ =	shalt  }
0x77: {  	_ =	shalt  }
0x78: {  	_ =	shalt  }
0x79: {  	_ =	shalt  }
0x7a: {  	_ =	shalt  }
0x7b: {  	_ =	shalt  }
0x7c: {  	_ =	shalt  }
0x7d: {  	_ =	shalt  }
0x7e: {  	_ =	shalt  }
0x7f: {  	_ =	shalt  }
0x80: {  	_ =	shalt  }
0x81: {  	_ =	shalt  }
0x82: {  	_ =	shalt  }
0x83: {  	_ =	shalt  }
0x84: {  	_ =	shalt  }
0x85: {  	_ =	shalt  }
0x86: {  	_ =	shalt  }
0x87: {  	_ =	shalt  }
.Lfunc_end0:
.L_simem_size_0:
called_computation_lowered:
.L_overlay_start_0:
0x88: {  	s2 =	sld [smem:$0x3FD9]  }
0x89: {  	s3 =	sld [smem:$0x3FFE];
	_ =	sdelay $0x1  }
0x8a: {  	s1 =	srdreg.scid  }
0x8b: {  	s0 =	sand.u32 $0x1, s1  }
0x8c: {  	s17 =	sshll.u32 s0, $0xA;
	s2 =	sadd.s32 s3, s2  }
0x8d: {  	s2 =	sadd.s32 s2, s17  }
0x8e: {  	[smem:$0x3FC1] =	sst s2  }
0x8f: {  	_ = 	snop  }
0x90: {  	s2 =	sld [smem:$0x3FC8]  }
0x91: {  	s18 =	sld [smem:$0x3FD0];
	(tm) =	ssettm $0x1  }
0x92: {  	s4 =	sld [smem:$0x3FFB];
	_ =	sdelay $0x3  }
0x93: {  	_ =	strace s4  }
0x94: {  	s4 =	sld [smem:$0x3FFC];
	_ =	sdelay $0x3  }
0x95: {  	_ =	strace s4  }
0x96: {  	s4 =	sld [smem:$0x3FFD];
	_ =	sdelay $0x3  }
0x97: {  	_ =	strace s4  }
0x98: {  	_ =	strace $0x8FFFFFFF  }
0x99: {  	s19 =	sld [smem:$0x3FDB];
	_ =	sdelay $0x1  }
0x9a: {  	s5 =	simm.s32 $_scs_section_size  }
0x9b: {  	s6 =	simm.s32 $_size__tile_overlayer_lowered;
	s7 =	simm.s32 $_tile_overlayer_lowered  }
0x9c: {  	s22 =	simm.s32 $0x1BFF;
	s21 =	sshll.u32 s7, $0x1;
	s4 =	sadd.s32 s5, s19  }
0x9d: {  	s8 =	simm.s32 $0x0;
	s20 =	sshll.u32 s6, $0x1;
	s6 =	sadd.s32 s21, s4  }
0x9e: {  	[timem:s8], [sflag:s22] =	dma.local [hbm:s6], s20  }
0x9f: {  	_ =	swait.ge [sflag:s22], s20  }
0xa0: {  	s5 =	ssub.s32 $0x0, s20;
	[sflag:s22] =	ssyncset.done $0x0  }
0xa1: {  	[sflag:s22] =	ssyncadd.s32 s5;
	_ =	sdelay $0x1  }
0xa2: {  	s23 =	simm.s32 $0x1B8B  }
0xa3: {  	_ =	swait.ge [sflag:s23], $0x1  }
0xa4: {  	[sflag:s23] =	ssyncset.done $0x0  }
0xa5: {  	s25 =	simm.s32 $0x1B8E;
	s24 =	sld [smem:$0x3FFE];
	[sflag:s23] =	ssyncadd.s32 $0xFFFFFFFF  }
0xa6: {  	s26 =	simm.s32 $execute0_lowered;
	[smem:$0x3FD2] =	sst s25  }
0xa7: {  	s6 =	sshll.u32 s26, $0x1;
	_ =	strace $0x80000046;
	[dreg:$0x1] =	wrdreg $0xFFFFFFFF  }
0xa8: {  	s28 =	simm.s32 $_size_execute0_lowered;
	s4 =	sadd.s32 s4, s6;
	[dreg:$0x0] =	wrdreg $0x0  }
0xa9: {  	s6 =	sshll.u32 s28, $0x1;
	[dreg:$0x2] =	wrdreg s4  }
0xaa: {  	[dreg:$0x3] =	wrdreg s6  }
0xab: {  	[dreg:$0x4] =	wrdreg $0xC0  }
0xac: {  	_ =	task [dreg:s8], $0x5FFFF  }
0xad: {  	[dreg:$0x1] =	wrdreg $0xFFFFFFFF  }
0xae: {  	[dreg:$0x0] =	wrdreg $0x60  }
0xaf: {  	[dreg:$0x2] =	wrdreg s24  }
0xb0: {  	[dreg:$0x3] =	wrdreg s2  }
0xb1: {  	[dreg:$0x4] =	wrdreg s18  }
0xb2: {  	[dreg:$0x5] =	wrdreg $0x0  }
0xb3: {  	[dreg:$0x6] =	wrdreg $0x9  }
0xb4: {  	_ =	task.clear_ibuf [dreg:s8], $0x7FFFF;
	_ =	strace $0x90000046  }
0xb5: {  	s29 =	simm.s32 $0x9;
	_ =	strace $0x80000051  }
0xb6: {  	_ =	swait.ge [sflag:s29], $0x1  }
0xb7: {  	[sflag:s29] =	ssyncadd.s32 $0xFFFFFFFF  }
0xb8: {  	_ =	strace $0x90000051  }
0xb9: {  	_ =	sfence  }
0xba: {  	s30 =	sld [smem:$0x0];
	_ =	sdelay $0x2  }
0xbb: {  	s31 =	sshll.u32 s1, $0xD;
	s1 =	sshrl.u32 s1, $0x2  }
0xbc: {  	s3 =	sand.u32 $0x4000, s31;
	s1 =	sadd.s32 s1, s30  }
0xbd: {  	s0 =	sor.u32 s3, s0;
	s1 =	sshll.u32 s1, $0x11  }
0xbe: {  	s0 =	sor.u32 s1, s0  }
0xbf: {  	s0 =	sadd.s32 $0x8F2B, s0  }
0xc0: {  	[sflag:s0] =	ssyncadd.remote.s32 $0x1  }
0xc1: {  	_ =	sfence.sel $0xFFFF  }
0xc2: {  	[dreg:$0x0] =	wrdreg $0xFFFFFFFF;
	(pc) =	sbr.abs _section_cstart, $3  }
0xc3: {  	[dreg:$0x1] =	wrdreg $0xFFFFFFFF  }
0xc4: {  	_ =	task.clear_ibuf [dreg:s8], $0x2FFFF;
	_ =	strace $0x9FFFFFFF  }
0xc5: {  	(tm) =	ssettm $0x7FFFFFFF  }
tec
execute0_lowered:
.L_overlay_start_1:
0x0: {  	(tag) =	ssettag $0x1  }
0x1: {  	s7 =	rddreg [dreg:$0x0]  }
0x2: {  	s5 =	rddreg [dreg:$0x1]  }
0x3: {  	s9 =	rddreg [dreg:$0x2]  }
0x4: {  	s1 =	rddreg [dreg:$0x3]  }
0x5: {  	s0 =	rddreg [dreg:$0x4]  }
0x6: {  	s2 =	simm.s32 $0x0;
	s3 =	srdreg.scid;
	s13 =	stileid.u32  }
0x7: {  	s14 =	simm.s32 $0x11080;
	s18 =	simm.s32 $0x200;
	s19 =	simm.s32 $0x11880  }
0x8: {  	s20 =	simm.s32 $0x12080;
	s21 =	simm.s32 $0x11A80;
	s28 =	simm.s32 $0x0  }
0x9: {  	[smem:$0x7FF] =	sst s2;
	s6 =	sand.u32 $0x1, s3;
	s8 =	sshll.u32 s13, $0x8  }
0xa: {  	s22 =	sshll.u32 s13, $0xD;
	s24 =	sshll.u32 s13, $0x10;
	s17 =	sadd.s32 $0x100000, s1  }
0xb: {  	p0 =	sne.s32 s13, $0x0;
	s15 =	sshll.u32 s13, $0x6;
	s13 =	simm.s32 $0x10880  }
0xc: {  	_ =	strace $0x80000047;
	s4 =	ssub.s32 $0x2, s6;
	s10 =	sadd.s32 s8, s7  }
0xd: {  	s11 =	sadd.s32 s22, s7;
	s5 =	sadd.s32 s5, s8;
	s25 =	sshll.u32 s6, $0xA  }
0xe: {  	s16 =	sadd.s32 s24, s1;
	s29 =	sshll.u32 s6, $0x15;
	s7 =	sadd.s32 $0x23A00, s7  }
0xf: {  	s15 =	sor.u32 $0x1C01, s15;
	s17 =	sshrl.u32 @!p0 s17, $0x3;
	s22 =	simm.s32 $0x12280  }
0x10: {  	s23 =	sshrl.u32 s4, $0x1;
	s3 =	sadd.s32 $0x2A00, s10;
	s26 =	sor.u32 $0x200, s25  }
0x11: {  	s6 =	sadd.s32 $0x3A00, s11;
	s16 =	sshrl.u32 s16, $0x3;
	v0 =	vmov s25;
	s25 =	simm.s32 $0x11E80  }
0x12: {  	s12 =	ssub.s32 s4, s23;
	s4 =	sadd.s32 $0x1A00, s10;
	s10 =	sor.u32 s24, s29  }
0x13: {  	s30 =	sshll.u32 s26, $0xB;
	s23 =	simm.s32 $0x11C80;
	v1 =	vmov s26;
	s26 =	simm.s32 $0x12680  }
0x14: {  	s10 =	sshrl.u32 s10, $0x3;
	s11 =	sor.u32 s24, s30;
	s24 =	simm.s32 $0x12480  }
0x15: {  	s8 =	sadd.s32 s9, s10;
	s31 =	sshrl.u32 s11, $0x3;
	s10 =	smax.u32 s12, $0x1  }
0x16: {  	s11 =	simm.s32 $0x10080;
	s12 =	simm.s32 $0x1;
	s9 =	sadd.s32 s9, s31  }
.LBB2_1:
0x17: {  	_ =	strace $0x80000048  }
0x18: {  	[tilespmem:s11], [sflag:$0x1] =	stream.linear.gather [hbm4b:s3+s2], $0x800, $0x200038;
	[tilespmem:$0x12880] =	vst v63  }
0x19: {  	_ =	swait.ge [sflag:s12], $0x800  }
0x1a: {  	[sflag:s12] =	ssyncset.done $0x0  }
0x1b: {  	[sflag:s12] =	ssyncadd.s32 $0xFFFFF800  }
0x1c: {  	[tilespmem:s13], [sflag:$0x1] =	stream.linear.gather [hbm4b:s4+s2], $0x800, $0x200038;
	[tilespmem:$0x12880] =	vst v63  }
0x1d: {  	_ =	swait.ge [sflag:s12], $0x800  }
0x1e: {  	[sflag:s12] =	ssyncset.done $0x0  }
0x1f: {  	[sflag:s12] =	ssyncadd.s32 $0xFFFFF800  }
0x20: {  	[tilespmem:s14], [sflag:$0x1] =	stream.linear.gather [hbm4b:s5+s2], $0x800, $0x200038;
	[tilespmem:$0x12880] =	vst v63  }
0x21: {  	_ =	swait.ge [sflag:s12], $0x800  }
0x22: {  	[sflag:s12] =	ssyncset.done $0x0  }
0x23: {  	[sflag:s12] =	ssyncadd.s32 $0xFFFFF800  }
0x24: {  	_ =	strace $0x90000048  }
0x25: {  	_ =	strace $0x80000049  }
0x26: {  	[spmem:s16], [sflag:s15] =	dma.local [hbm:s6], $0x2000  }
0x27: {  	_ =	swait.ge [sflag:s12], $0x2000  }
0x28: {  	[sflag:s12] =	ssyncset.done $0x0  }
0x29: {  	s29 =	simm.s32 @!p0 $0x1;
	[sflag:s12] =	ssyncadd.s32 $0xFFFFE000  }
0x2a: {  	[spmem:s17], [sflag:s15] =	dma.local @!p0 [hbm:s7], $0x100  }
0x2b: {  	_ =	swait.ge @!p0 [sflag:s29], $0x100  }
0x2c: {  	[sflag:s29] =	ssyncset.done @!p0 $0x0  }
0x2d: {  	[sflag:s29] =	ssyncadd.s32 @!p0 $0xFFFFFF00  }
0x2e: {  	[bflag:$0x0] =	sbarrier.arrive $0xFFFF  }
0x2f: {  	_ =	strace $0x90000049  }
0x30: {  	s29 =	simm.s32 $0x0;
	_ =	strace $0x8000004A  }
0x31: {  	v2 =	vld [tilespmem:s29+$0x10080]  }
0x32: {  	v3 =	vld [tilespmem:s29+$0x11080]  }
0x33: {  	v4 =	vld [tilespmem:s29+$0x10880]  }
0x34: {  	s30 =	simm.s32 $0x40  }
.LBB2_2:
0x35: {  	p1 =	sne.s32 s30, $0x1FC0  }
.Ltmp0:
0x36: {  	s31 =	sshra.s32 s30, $0x2;
	s30 =	sadd.s32 $0x40, s30;
	v5 =	vsub.s32 v2, v0;
	(pc) =	sbr.rel @p1 .LBB2_2-.Ltmp0, $4  }
0x37: {  	v2 =	vld [tilespmem:s31+$0x10080];
	v6 =	vand.u32 $0x7FFFFFFF, v3;
	v7 =	vshll.u32 v5, $0xB  }
0x38: {  	vm0 =	vlt.u32 v5, $0x200;
	v3 =	vld [tilespmem:s31+$0x11080];
	v5 =	vadd.s32 v4, v7;
	[tilespmem:s29+$0x12080] =	vst v6  }
0x39: {  	v4 =	vld [tilespmem:s31+$0x10880];
	v5 =	vnsel vm0, $0x100000, v5  }
0x3a: {  	[tilespmem:s29+$0x11880] =	vst v5;
	s29 =	smov.u32 s31  }
0x3b: {  	_ = 	snop  }
0x3c: {  	v2 =	vsub.s32 v2, v0  }
0x3d: {  	v5 =	vshll.u32 v2, $0xB  }
0x3e: {  	v3 =	vand.u32 $0x7FFFFFFF, v3;
	vm0 =	vlt.u32 v2, $0x200;
	v2 =	vadd.s32 v4, v5  }
0x3f: {  	[tilespmem:s29+$0x12080] =	vst v3;
	v2 =	vnsel vm0, $0x100000, v2  }
0x40: {  	[tilespmem:s29+$0x11880] =	vst v2  }
0x41: {  	_ =	strace $0x9000004A  }
0x42: {  	_ =	strace $0x8000004B  }
0x43: {  	[spmem:s1] =	stream.indirect.scatter.add.f32 [tilespmem:s20], [sflag:$0x1], $0x1, s19, s18, $0x2000b8;
	[tilespmem:$0x12880] =	vst v63  }
0x44: {  	_ =	swait.ge [sflag:s12], $0x200  }
0x45: {  	[sflag:s12] =	ssyncset.done $0x0  }
0x46: {  	[sflag:s12] =	ssyncadd.s32 $0xFFFFFE00  }
0x47: {  	[spmem:s1] =	stream.indirect.scatter.add.f32 [tilespmem:s22], [sflag:$0x1], $0x1, s21, s18, $0x2000b8;
	[tilespmem:$0x12880] =	vst v63  }
0x48: {  	_ =	swait.ge [sflag:s12], $0x200  }
0x49: {  	[sflag:s12] =	ssyncset.done $0x0  }
0x4a: {  	[sflag:s12] =	ssyncadd.s32 $0xFFFFFE00  }
0x4b: {  	[spmem:s1] =	stream.indirect.scatter.add.f32 [tilespmem:s24], [sflag:$0x1], $0x1, s23, s18, $0x2000b8;
	[tilespmem:$0x12880] =	vst v63  }
0x4c: {  	_ =	swait.ge [sflag:s12], $0x200  }
0x4d: {  	[sflag:s12] =	ssyncset.done $0x0  }
0x4e: {  	[sflag:s12] =	ssyncadd.s32 $0xFFFFFE00  }
0x4f: {  	[spmem:s1] =	stream.indirect.scatter.add.f32 [tilespmem:s26], [sflag:$0x1], $0x1, s25, s18, $0x2000b8;
	[tilespmem:$0x12880] =	vst v63  }
0x50: {  	_ =	swait.ge [sflag:s12], $0x200  }
0x51: {  	[sflag:s12] =	ssyncset.done $0x0  }
0x52: {  	[sflag:s12] =	ssyncadd.s32 $0xFFFFFE00  }
0x53: {  	[bflag:$0x0] =	sbarrier.arrive $0xFFFF  }
0x54: {  	_ =	strace $0x9000004B  }
0x55: {  	_ =	strace $0x8000004C  }
0x56: {  	[hbm:s8], [sflag:s15] =	dma.local [spmem:s16], $0x2000  }
0x57: {  	_ =	swait.ge [sflag:s12], $0x2000  }
0x58: {  	[sflag:s12] =	ssyncset.done $0x0  }
0x59: {  	[sflag:s12] =	ssyncadd.s32 $0xFFFFE000  }
0x5a: {  	[bflag:$0x0] =	sbarrier.arrive $0xFFFF  }
0x5b: {  	_ =	strace $0x9000004C  }
0x5c: {  	_ =	strace $0x8000004D  }
0x5d: {  	[spmem:s16], [sflag:s15] =	dma.local [hbm:s6], $0x2000  }
0x5e: {  	_ =	swait.ge [sflag:s12], $0x2000  }
0x5f: {  	[sflag:s12] =	ssyncset.done $0x0  }
0x60: {  	s29 =	simm.s32 @!p0 $0x1;
	[sflag:s12] =	ssyncadd.s32 $0xFFFFE000  }
0x61: {  	[spmem:s17], [sflag:s15] =	dma.local @!p0 [hbm:s7], $0x100  }
0x62: {  	_ =	swait.ge @!p0 [sflag:s29], $0x100  }
0x63: {  	[sflag:s29] =	ssyncset.done @!p0 $0x0  }
0x64: {  	[sflag:s29] =	ssyncadd.s32 @!p0 $0xFFFFFF00  }
0x65: {  	[bflag:$0x0] =	sbarrier.arrive $0xFFFF  }
0x66: {  	_ =	strace $0x9000004D  }
0x67: {  	s29 =	simm.s32 $0x0;
	_ =	strace $0x8000004E  }
0x68: {  	v2 =	vld [tilespmem:s29+$0x10080]  }
0x69: {  	v3 =	vld [tilespmem:s29+$0x11080]  }
0x6a: {  	v4 =	vld [tilespmem:s29+$0x10880]  }
0x6b: {  	s30 =	simm.s32 $0x40  }
.LBB2_4:
0x6c: {  	p1 =	sne.s32 s30, $0x1FC0  }
.Ltmp1:
0x6d: {  	s31 =	sshra.s32 s30, $0x2;
	s30 =	sadd.s32 $0x40, s30;
	v5 =	vsub.s32 v2, v1;
	(pc) =	sbr.rel @p1 .LBB2_4-.Ltmp1, $4  }
0x6e: {  	v2 =	vld [tilespmem:s31+$0x10080];
	v6 =	vand.u32 $0x7FFFFFFF, v3;
	v7 =	vshll.u32 v5, $0xB  }
0x6f: {  	vm0 =	vlt.u32 v5, $0x200;
	v3 =	vld [tilespmem:s31+$0x11080];
	v5 =	vadd.s32 v4, v7;
	[tilespmem:s29+$0x12080] =	vst v6  }
0x70: {  	v4 =	vld [tilespmem:s31+$0x10880];
	v5 =	vnsel vm0, $0x100000, v5  }
0x71: {  	[tilespmem:s29+$0x11880] =	vst v5;
	s29 =	smov.u32 s31  }
0x72: {  	_ = 	snop  }
0x73: {  	v2 =	vsub.s32 v2, v1  }
0x74: {  	v5 =	vshll.u32 v2, $0xB  }
0x75: {  	v3 =	vand.u32 $0x7FFFFFFF, v3;
	vm0 =	vlt.u32 v2, $0x200;
	v2 =	vadd.s32 v4, v5  }
0x76: {  	[tilespmem:s29+$0x12080] =	vst v3;
	v2 =	vnsel vm0, $0x100000, v2  }
0x77: {  	[tilespmem:s29+$0x11880] =	vst v2  }
0x78: {  	_ =	strace $0x9000004E  }
0x79: {  	_ =	strace $0x8000004F  }
0x7a: {  	[spmem:s1] =	stream.indirect.scatter.add.f32 [tilespmem:s20], [sflag:$0x1], $0x1, s19, s18, $0x2000b8;
	[tilespmem:$0x12880] =	vst v63  }
0x7b: {  	_ =	swait.ge [sflag:s12], $0x200  }
0x7c: {  	[sflag:s12] =	ssyncset.done $0x0  }
0x7d: {  	[sflag:s12] =	ssyncadd.s32 $0xFFFFFE00  }
0x7e: {  	[spmem:s1] =	stream.indirect.scatter.add.f32 [tilespmem:s22], [sflag:$0x1], $0x1, s21, s18, $0x2000b8;
	[tilespmem:$0x12880] =	vst v63  }
0x7f: {  	_ =	swait.ge [sflag:s12], $0x200  }
0x80: {  	[sflag:s12] =	ssyncset.done $0x0  }
0x81: {  	[sflag:s12] =	ssyncadd.s32 $0xFFFFFE00  }
0x82: {  	[spmem:s1] =	stream.indirect.scatter.add.f32 [tilespmem:s24], [sflag:$0x1], $0x1, s23, s18, $0x2000b8;
	[tilespmem:$0x12880] =	vst v63  }
0x83: {  	_ =	swait.ge [sflag:s12], $0x200  }
0x84: {  	[sflag:s12] =	ssyncset.done $0x0  }
0x85: {  	[sflag:s12] =	ssyncadd.s32 $0xFFFFFE00  }
0x86: {  	[spmem:s1] =	stream.indirect.scatter.add.f32 [tilespmem:s26], [sflag:$0x1], $0x1, s25, s18, $0x2000b8;
	[tilespmem:$0x12880] =	vst v63  }
0x87: {  	_ =	swait.ge [sflag:s12], $0x200  }
0x88: {  	[sflag:s12] =	ssyncset.done $0x0  }
0x89: {  	[sflag:s12] =	ssyncadd.s32 $0xFFFFFE00  }
0x8a: {  	[bflag:$0x0] =	sbarrier.arrive $0xFFFF  }
0x8b: {  	s28 =	sadd.s32 $0x1, s28;
	_ =	strace $0x9000004F  }
0x8c: {  	p1 =	sne.s32 s28, s10;
	_ =	strace $0x80000050  }
0x8d: {  	[hbm:s9], [sflag:s15] =	dma.local [spmem:s16], $0x2000  }
.Ltmp2:
0x8e: {  	_ =	swait.ge [sflag:s12], $0x2000;
	(pc) =	sbr.rel @p1 .LBB2_1-.Ltmp2, $4  }
0x8f: {  	[sflag:s12] =	ssyncset.done $0x0  }
0x90: {  	[sflag:s12] =	ssyncadd.s32 $0xFFFFE000  }
0x91: {  	[bflag:$0x0] =	sbarrier.arrive $0xFFFF  }
0x92: {  	_ =	strace $0x90000050  }
0x93: {  	_ =	sfence.sel $0x180000  }
0x94: {  	[bflag:$0x0] =	sbarrier.arrive $0xFFFF  }
0x95: {  	_ =	strace $0x90000047  }
0x96: {  	s0 =	sadd.s32 @!p0 $0x100000, s0;
	[bflag:$0x2] =	sbarrier.arrive $0xFFFF  }
0x97: {  	[sflag:s0] =	ssyncadd.tile.s32 @!p0 $0x1;
	_ =	shalt  }
.Lfunc_end2:
_tile_overlayer_lowered:
.L_overlay_start_2:
0x98: {  	(tag) =	ssettag $0x2  }
0x99: {  	s0 =	rddreg [dreg:$0x0];
	s2 =	stileid.u32  }
0x9a: {  	s1 =	rddreg [dreg:$0x1];
	p0 =	sne.s32 s2, $0x0  }
0x9b: {  	s3 =	rddreg [dreg:$0x2];
	[bflag:$0x3] =	sbarrier.arrive $0xFFFF;
	s2 =	simm.s32 @!p0 $0x1C01  }
0x9c: {  	[timem:s3], [sflag:s2] =	dma.local @!p0 [hbm:s0], s1  }
0x9d: {  	s0 =	simm.s32 @!p0 $0x1  }
0x9e: {  	_ =	swait.ge @!p0 [sflag:s0], s1  }
0x9f: {  	s1 =	ssub.s32 @!p0 $0x0, s1;
	[sflag:s0] =	ssyncset.done @!p0 $0x0  }
0xa0: {  	[sflag:s0] =	ssyncadd.s32 @!p0 s1  }
0xa1: {  	[bflag:$0x3] =	sbarrier.arrive $0xFFFF  }
0xa2: {  	_ =	shalt  }

</sc_bundles>
